<compile_context>
chip_gen: v7x
topology: tpu7x:2x2x1
jax: 0.10.2.dev20260603
libtpu: 0.0.44.dev20260713+nightly
codegen_flags: <defaults>
</compile_context>

<pallas_src>
import functools

import jax
import jax.numpy as jnp
from jax import lax
from jax.experimental import pallas as pl
from jax.experimental.pallas import tpu as pltpu
from jax.experimental.pallas import tpu_sc as plsc

VOCAB = 100000
VOCAB_PAD = 102400
EMBED_DIM = 64
NUM_CLASS = 2
BATCH = 4096
SEQ = 200

NUM_CORES = 2
NUM_SUBCORES = 16
NUM_WORKERS = NUM_CORES * NUM_SUBCORES
B_PER_W = BATCH // NUM_WORKERS
R_CHUNKS = B_PER_W // 16
TOK_PER_W = B_PER_W * SEQ


def _tc_project_body(w_ref, b_ref, emb_ref, out_ref):
    d = (
        lax.dot_general(
            w_ref[...],
            emb_ref[...],
            dimension_numbers=(((1,), (1,)), ((), ())),
            preferred_element_type=jnp.float32,
        )
        + b_ref[...]
    )
    u0 = lax.bitcast_convert_type(d[0:1, :].astype(jnp.bfloat16), jnp.uint16)
    u1 = lax.bitcast_convert_type(d[1:2, :].astype(jnp.bfloat16), jnp.uint16)
    packed = u0.astype(jnp.uint32) | (u1.astype(jnp.uint32) << 16)
    out_ref[...] = lax.bitcast_convert_type(packed, jnp.int32)[None]


_tc_project = pl.pallas_call(
    _tc_project_body,
    grid=(8,),
    in_specs=[
        pl.BlockSpec((NUM_CLASS, EMBED_DIM), lambda i: (0, 0)),
        pl.BlockSpec((NUM_CLASS, 1), lambda i: (0, 0)),
        pl.BlockSpec((VOCAB_PAD // 8, EMBED_DIM), lambda i: (i, 0)),
    ],
    out_specs=pl.BlockSpec((1, 1, VOCAB_PAD // 8), lambda i: (i, 0, 0)),
    out_shape=jax.ShapeDtypeStruct((8, 1, VOCAB_PAD // 8), jnp.int32),
)


@functools.lru_cache(maxsize=1)
def _make_sc_pool():
    mesh = plsc.VectorSubcoreMesh(
        core_axis_name="c",
        subcore_axis_name="s",
        num_cores=NUM_CORES,
        num_subcores=NUM_SUBCORES,
    )

    @functools.partial(
        pl.kernel,
        mesh=mesh,
        out_type=jax.ShapeDtypeStruct((NUM_CLASS * BATCH,), jnp.float32),
        scratch_types=[
            pltpu.VMEM((TOK_PER_W,), jnp.int32),
            pltpu.VMEM((VOCAB,), jnp.int32),
            pltpu.VMEM((NUM_CLASS * B_PER_W,), jnp.float32),
            pltpu.SemaphoreType.DMA,
            pltpu.SemaphoreType.DMA,
        ],
        compiler_params=pltpu.CompilerParams(needs_layout_passes=False),
    )
    def _sc_pool(ptab_hbm, text_hbm, out_hbm, idx_v, tab_v, out_v, sem1, sem2):
        wid = lax.axis_index("s") * NUM_CORES + lax.axis_index("c")
        base = wid * B_PER_W
        c_tab = pltpu.async_copy(ptab_hbm.at[pl.ds(0, VOCAB)], tab_v, sem1)
        c_idx = pltpu.async_copy(
            text_hbm.at[pl.ds(base * SEQ, TOK_PER_W)], idx_v, sem2
        )
        c_idx.wait()
        c_tab.wait()

        lanevec = lax.iota(jnp.int32, 16) * SEQ
        himask = jnp.full((16,), -65536, jnp.int32)

        def body(p, accs):
            out = []
            for r in range(R_CHUNKS):
                addr = lanevec + (r * 16 * SEQ + p)
                iv = plsc.load_gather(idx_v, [addr])
                g = plsc.load_gather(tab_v, [iv])
                f0 = plsc.bitcast(g << 16, jnp.float32)
                f1 = plsc.bitcast(g & himask, jnp.float32)
                out.append(accs[2 * r] + f0)
                out.append(accs[2 * r + 1] + f1)
            return tuple(out)

        zero = jnp.zeros((16,), jnp.float32)
        accs = lax.fori_loop(
            0, SEQ, body, (zero,) * (2 * R_CHUNKS), unroll=2
        )
        for r in range(R_CHUNKS):
            out_v[pl.ds(r * 16, 16)] = accs[2 * r] * (1.0 / SEQ)
            out_v[pl.ds(B_PER_W + r * 16, 16)] = accs[2 * r + 1] * (1.0 / SEQ)
        c_o0 = pltpu.async_copy(
            out_v.at[pl.ds(0, B_PER_W)], out_hbm.at[pl.ds(base, B_PER_W)], sem1
        )
        c_o1 = pltpu.async_copy(
            out_v.at[pl.ds(B_PER_W, B_PER_W)],
            out_hbm.at[pl.ds(BATCH + base, B_PER_W)],
            sem2,
        )
        c_o0.wait()
        c_o1.wait()

    return _sc_pool


def kernel(text, emb_table, fc_w, fc_b):
    text = text.astype(jnp.int32).reshape(-1)
    ptab = _tc_project(fc_w, fc_b.reshape(NUM_CLASS, 1), emb_table)
    out = _make_sc_pool()(ptab.reshape(-1), text)
    return out.reshape(NUM_CLASS, BATCH).T

# --- scband reference (transcript-rebuilt; emitter-appended) ---
"""Pipeline reference for scband-chinese-classifier-21878563406016 (READ-ONLY COPY).

The authoritative reference and input builder live on the scoring server;
editing this copy changes nothing except your own understanding.
"""

import jax, jax.numpy as jnp
import numpy as np

VOCAB = 100000
EMBED_DIM = 64
NUM_CLASS = 2
BATCH = 4096
SEQ = 200


def setup_inputs(seed: int = 0) -> dict:
    key = jax.random.key(seed)
    k1, k2, k3, k4 = jax.random.split(key, 4)
    text = jax.random.randint(k1, (BATCH, SEQ), 0, VOCAB, dtype=jnp.int64 if jax.config.jax_enable_x64 else jnp.int32)
    emb_table = jax.random.normal(k2, (VOCAB, EMBED_DIM), dtype=jnp.float32)
    fc_w = jax.random.normal(k3, (NUM_CLASS, EMBED_DIM), dtype=jnp.float32) * (1.0 / np.sqrt(EMBED_DIM))
    fc_b = jax.random.normal(k4, (NUM_CLASS,), dtype=jnp.float32) * 0.01
    return {"text": text, "emb_table": emb_table, "fc_w": fc_w, "fc_b": fc_b}


def reference(text, emb_table, fc_w, fc_b):
    # embedding lookup: [B, L, E]
    embedded = jnp.take(emb_table, text, axis=0)
    # mean over sequence dim: [B, E]
    pooled = embedded.mean(axis=1)
    # linear layer: [B, num_class]
    out = pooled @ fc_w.T + fc_b
    return out

if __name__ == "__main__":
    import jax
    _d = setup_inputs()
    print(jax.jit(kernel)(*tuple(_d.values())))

</pallas_src>

<mosaic_0001>
#map = affine_map<(d0, d1) -> (0)>
module attributes {stable_mosaic.version = 14 : i64} {
  func.func @_sc_pool(%arg0: i32, %arg1: i32, %arg2: memref<102400xi32, #tpu.memory_space<hbm>>, %arg3: memref<819200xi32, #tpu.memory_space<hbm>>, %arg4: memref<8192xf32, #tpu.memory_space<hbm>>, %arg5: memref<25600xi32, #tpu.memory_space<vmem>>, %arg6: memref<100000xi32, #tpu.memory_space<vmem>>, %arg7: memref<256xf32, #tpu.memory_space<vmem>>, %arg8: memref<!tpu.dma_semaphore, #tpu.memory_space<semaphore_mem>>, %arg9: memref<!tpu.dma_semaphore, #tpu.memory_space<semaphore_mem>>) attributes {dimension_semantics = [#tpu.dimension_semantics<core_parallel>, #tpu.dimension_semantics<subcore_parallel>], iteration_bounds = array<i64: 2, 16>, scalar_prefetch = 0 : i64, scratch_operands = 5 : i64, tpu.core_type = #tpu.core_type<sc_vector_subcore>, window_params = [{transform_indices = #map}, {transform_indices = #map}, {transform_indices = #map}]} {
    %mul3A = arith.constant 2 : i32
    %mul3A_0 = arith.muli %arg1, %mul3A : i32
    %add3A = arith.addi %mul3A_0, %arg0 : i32
    %mul3A_1 = arith.constant 128 : i32
    %mul3A_2 = arith.muli %add3A, %mul3A_1 : i32
    %dma_start3A = arith.constant 0 : i32
    %dma_start3A_3 = tpu.memref_slice %arg2[%dma_start3A] : memref<102400xi32, #tpu.memory_space<hbm>> -> memref<100000xi32, #tpu.memory_space<hbm>>
    %dma_start3A_4 = arith.constant 0 : i32
    %dma_start3A_5 = tpu.memref_slice %arg2[%dma_start3A_4] : memref<102400xi32, #tpu.memory_space<hbm>> -> memref<100000xi32, #tpu.memory_space<hbm>>
    tpu.enqueue_dma source(%dma_start3A_5 : memref<100000xi32, #tpu.memory_space<hbm>>) target(%arg6 : memref<100000xi32, #tpu.memory_space<vmem>>) target_semaphore(%arg8 : memref<!tpu.dma_semaphore, #tpu.memory_space<semaphore_mem>>)
    %mul3A_6 = arith.constant 200 : i32
    %mul3A_7 = arith.muli %mul3A_2, %mul3A_6 : i32
    %dma_start3A_8 = tpu.memref_slice %arg3[%mul3A_7] : memref<819200xi32, #tpu.memory_space<hbm>> -> memref<25600xi32, #tpu.memory_space<hbm>>
    %dma_start3A_9 = tpu.memref_slice %arg3[%mul3A_7] : memref<819200xi32, #tpu.memory_space<hbm>> -> memref<25600xi32, #tpu.memory_space<hbm>>
    tpu.enqueue_dma source(%dma_start3A_9 : memref<25600xi32, #tpu.memory_space<hbm>>) target(%arg5 : memref<25600xi32, #tpu.memory_space<vmem>>) target_semaphore(%arg9 : memref<!tpu.dma_semaphore, #tpu.memory_space<semaphore_mem>>)
    %dma_wait3A = tpu.memref_slice %arg3[%mul3A_7] : memref<819200xi32, #tpu.memory_space<hbm>> -> memref<25600xi32, #tpu.memory_space<hbm>>
    %dma_wait3A_10 = tpu.memref_slice %arg3[%mul3A_7] : memref<819200xi32, #tpu.memory_space<hbm>> -> memref<25600xi32, #tpu.memory_space<hbm>>
    tpu.wait_dma2 semaphore(%arg9 : memref<!tpu.dma_semaphore, #tpu.memory_space<semaphore_mem>>) src(%dma_wait3A_10 : memref<25600xi32, #tpu.memory_space<hbm>>) dst(%arg5 : memref<25600xi32, #tpu.memory_space<vmem>>)
    %dma_wait3A_11 = arith.constant 0 : i32
    %dma_wait3A_12 = tpu.memref_slice %arg2[%dma_wait3A_11] : memref<102400xi32, #tpu.memory_space<hbm>> -> memref<100000xi32, #tpu.memory_space<hbm>>
    %dma_wait3A_13 = arith.constant 0 : i32
    %dma_wait3A_14 = tpu.memref_slice %arg2[%dma_wait3A_13] : memref<102400xi32, #tpu.memory_space<hbm>> -> memref<100000xi32, #tpu.memory_space<hbm>>
    tpu.wait_dma2 semaphore(%arg8 : memref<!tpu.dma_semaphore, #tpu.memory_space<semaphore_mem>>) src(%dma_wait3A_14 : memref<100000xi32, #tpu.memory_space<hbm>>) dst(%arg6 : memref<100000xi32, #tpu.memory_space<vmem>>)
    %iota3A = tpu.iota {dimensions = array<i32: 0>} : vector<16xi32>
    %mul3A_15 = arith.constant 200 : i32
    %mul3A_16 = vector.broadcast %mul3A_15 : i32 to vector<16xi32>
    %mul3A_17 = arith.muli %iota3A, %mul3A_16 : vector<16xi32>
    %broadcast_in_dim3A = arith.constant -65536 : i32
    %broadcast_in_dim3A_18 = vector.broadcast %broadcast_in_dim3A : i32 to vector<16xi32>
    %broadcast_in_dim3A_19 = arith.constant 0.000000e+00 : f32
    %broadcast_in_dim3A_20 = vector.broadcast %broadcast_in_dim3A_19 : f32 to vector<16xf32>
    %scan3A = arith.constant 0 : i32
    %scan3A_21 = arith.constant 200 : i32
    %scan3A_22 = arith.addi %scan3A, %scan3A_21 : i32
    %scan3A_23 = arith.constant 2 : i32
    %scan3A_24:16 = scf.for %scan3A_131 = %scan3A to %scan3A_22 step %scan3A_23 iter_args(%scan3A_132 = %broadcast_in_dim3A_20, %scan3A_133 = %broadcast_in_dim3A_20, %scan3A_134 = %broadcast_in_dim3A_20, %scan3A_135 = %broadcast_in_dim3A_20, %scan3A_136 = %broadcast_in_dim3A_20, %scan3A_137 = %broadcast_in_dim3A_20, %scan3A_138 = %broadcast_in_dim3A_20, %scan3A_139 = %broadcast_in_dim3A_20, %scan3A_140 = %broadcast_in_dim3A_20, %scan3A_141 = %broadcast_in_dim3A_20, %scan3A_142 = %broadcast_in_dim3A_20, %scan3A_143 = %broadcast_in_dim3A_20, %scan3A_144 = %broadcast_in_dim3A_20, %scan3A_145 = %broadcast_in_dim3A_20, %scan3A_146 = %broadcast_in_dim3A_20, %scan3A_147 = %broadcast_in_dim3A_20) -> (vector<16xf32>, vector<16xf32>, vector<16xf32>, vector<16xf32>, vector<16xf32>, vector<16xf32>, vector<16xf32>, vector<16xf32>, vector<16xf32>, vector<16xf32>, vector<16xf32>, vector<16xf32>, vector<16xf32>, vector<16xf32>, vector<16xf32>, vector<16xf32>)  : i32 {
      %add3A_148 = arith.constant 0 : i32
      %add3A_149 = arith.addi %add3A_148, %scan3A_131 : i32
      %add3A_150 = vector.broadcast %add3A_149 : i32 to vector<16xi32>
      %add3A_151 = arith.addi %mul3A_17, %add3A_150 : vector<16xi32>
      %gather3A = tpu.vector_load_idx %arg5[%add3A_151] : memref<25600xi32, #tpu.memory_space<vmem>>[vector<16xi32>], vector<16xi32>,
      %gather3A_152 = tpu.vector_load_idx %arg6[%gather3A] : memref<100000xi32, #tpu.memory_space<vmem>>[vector<16xi32>], vector<16xi32>,
      %shift_left3A = arith.constant 16 : i32
      %shift_left3A_153 = vector.broadcast %shift_left3A : i32 to vector<16xi32>
      %shift_left3A_154 = arith.shli %gather3A_152, %shift_left3A_153 : vector<16xi32>
      %bitcast3A = vector.bitcast %shift_left3A_154 : vector<16xi32> to vector<16xf32>
      %and3A = arith.andi %gather3A_152, %broadcast_in_dim3A_18 : vector<16xi32>
      %bitcast3A_155 = vector.bitcast %and3A : vector<16xi32> to vector<16xf32>
      %add3A_156 = arith.addf %scan3A_132, %bitcast3A : vector<16xf32>
      %add3A_157 = arith.addf %scan3A_133, %bitcast3A_155 : vector<16xf32>
      %add3A_158 = arith.constant 3200 : i32
      %add3A_159 = arith.addi %add3A_158, %scan3A_131 : i32
      %add3A_160 = vector.broadcast %add3A_159 : i32 to vector<16xi32>
      %add3A_161 = arith.addi %mul3A_17, %add3A_160 : vector<16xi32>
      %gather3A_162 = tpu.vector_load_idx %arg5[%add3A_161] : memref<25600xi32, #tpu.memory_space<vmem>>[vector<16xi32>], vector<16xi32>,
      %gather3A_163 = tpu.vector_load_idx %arg6[%gather3A_162] : memref<100000xi32, #tpu.memory_space<vmem>>[vector<16xi32>], vector<16xi32>,
      %shift_left3A_164 = arith.constant 16 : i32
      %shift_left3A_165 = vector.broadcast %shift_left3A_164 : i32 to vector<16xi32>
      %shift_left3A_166 = arith.shli %gather3A_163, %shift_left3A_165 : vector<16xi32>
      %bitcast3A_167 = vector.bitcast %shift_left3A_166 : vector<16xi32> to vector<16xf32>
      %and3A_168 = arith.andi %gather3A_163, %broadcast_in_dim3A_18 : vector<16xi32>
      %bitcast3A_169 = vector.bitcast %and3A_168 : vector<16xi32> to vector<16xf32>
      %add3A_170 = arith.addf %scan3A_134, %bitcast3A_167 : vector<16xf32>
      %add3A_171 = arith.addf %scan3A_135, %bitcast3A_169 : vector<16xf32>
      %add3A_172 = arith.constant 6400 : i32
      %add3A_173 = arith.addi %add3A_172, %scan3A_131 : i32
      %add3A_174 = vector.broadcast %add3A_173 : i32 to vector<16xi32>
      %add3A_175 = arith.addi %mul3A_17, %add3A_174 : vector<16xi32>
      %gather3A_176 = tpu.vector_load_idx %arg5[%add3A_175] : memref<25600xi32, #tpu.memory_space<vmem>>[vector<16xi32>], vector<16xi32>,
      %gather3A_177 = tpu.vector_load_idx %arg6[%gather3A_176] : memref<100000xi32, #tpu.memory_space<vmem>>[vector<16xi32>], vector<16xi32>,
      %shift_left3A_178 = arith.constant 16 : i32
      %shift_left3A_179 = vector.broadcast %shift_left3A_178 : i32 to vector<16xi32>
      %shift_left3A_180 = arith.shli %gather3A_177, %shift_left3A_179 : vector<16xi32>
      %bitcast3A_181 = vector.bitcast %shift_left3A_180 : vector<16xi32> to vector<16xf32>
      %and3A_182 = arith.andi %gather3A_177, %broadcast_in_dim3A_18 : vector<16xi32>
      %bitcast3A_183 = vector.bitcast %and3A_182 : vector<16xi32> to vector<16xf32>
      %add3A_184 = arith.addf %scan3A_136, %bitcast3A_181 : vector<16xf32>
      %add3A_185 = arith.addf %scan3A_137, %bitcast3A_183 : vector<16xf32>
      %add3A_186 = arith.constant 9600 : i32
      %add3A_187 = arith.addi %add3A_186, %scan3A_131 : i32
      %add3A_188 = vector.broadcast %add3A_187 : i32 to vector<16xi32>
      %add3A_189 = arith.addi %mul3A_17, %add3A_188 : vector<16xi32>
      %gather3A_190 = tpu.vector_load_idx %arg5[%add3A_189] : memref<25600xi32, #tpu.memory_space<vmem>>[vector<16xi32>], vector<16xi32>,
      %gather3A_191 = tpu.vector_load_idx %arg6[%gather3A_190] : memref<100000xi32, #tpu.memory_space<vmem>>[vector<16xi32>], vector<16xi32>,
      %shift_left3A_192 = arith.constant 16 : i32
      %shift_left3A_193 = vector.broadcast %shift_left3A_192 : i32 to vector<16xi32>
      %shift_left3A_194 = arith.shli %gather3A_191, %shift_left3A_193 : vector<16xi32>
      %bitcast3A_195 = vector.bitcast %shift_left3A_194 : vector<16xi32> to vector<16xf32>
      %and3A_196 = arith.andi %gather3A_191, %broadcast_in_dim3A_18 : vector<16xi32>
      %bitcast3A_197 = vector.bitcast %and3A_196 : vector<16xi32> to vector<16xf32>
      %add3A_198 = arith.addf %scan3A_138, %bitcast3A_195 : vector<16xf32>
      %add3A_199 = arith.addf %scan3A_139, %bitcast3A_197 : vector<16xf32>
      %add3A_200 = arith.constant 12800 : i32
      %add3A_201 = arith.addi %add3A_200, %scan3A_131 : i32
      %add3A_202 = vector.broadcast %add3A_201 : i32 to vector<16xi32>
      %add3A_203 = arith.addi %mul3A_17, %add3A_202 : vector<16xi32>
      %gather3A_204 = tpu.vector_load_idx %arg5[%add3A_203] : memref<25600xi32, #tpu.memory_space<vmem>>[vector<16xi32>], vector<16xi32>,
      %gather3A_205 = tpu.vector_load_idx %arg6[%gather3A_204] : memref<100000xi32, #tpu.memory_space<vmem>>[vector<16xi32>], vector<16xi32>,
      %shift_left3A_206 = arith.constant 16 : i32
      %shift_left3A_207 = vector.broadcast %shift_left3A_206 : i32 to vector<16xi32>
      %shift_left3A_208 = arith.shli %gather3A_205, %shift_left3A_207 : vector<16xi32>
      %bitcast3A_209 = vector.bitcast %shift_left3A_208 : vector<16xi32> to vector<16xf32>
      %and3A_210 = arith.andi %gather3A_205, %broadcast_in_dim3A_18 : vector<16xi32>
      %bitcast3A_211 = vector.bitcast %and3A_210 : vector<16xi32> to vector<16xf32>
      %add3A_212 = arith.addf %scan3A_140, %bitcast3A_209 : vector<16xf32>
      %add3A_213 = arith.addf %scan3A_141, %bitcast3A_211 : vector<16xf32>
      %add3A_214 = arith.constant 16000 : i32
      %add3A_215 = arith.addi %add3A_214, %scan3A_131 : i32
      %add3A_216 = vector.broadcast %add3A_215 : i32 to vector<16xi32>
      %add3A_217 = arith.addi %mul3A_17, %add3A_216 : vector<16xi32>
      %gather3A_218 = tpu.vector_load_idx %arg5[%add3A_217] : memref<25600xi32, #tpu.memory_space<vmem>>[vector<16xi32>], vector<16xi32>,
      %gather3A_219 = tpu.vector_load_idx %arg6[%gather3A_218] : memref<100000xi32, #tpu.memory_space<vmem>>[vector<16xi32>], vector<16xi32>,
      %shift_left3A_220 = arith.constant 16 : i32
      %shift_left3A_221 = vector.broadcast %shift_left3A_220 : i32 to vector<16xi32>
      %shift_left3A_222 = arith.shli %gather3A_219, %shift_left3A_221 : vector<16xi32>
      %bitcast3A_223 = vector.bitcast %shift_left3A_222 : vector<16xi32> to vector<16xf32>
      %and3A_224 = arith.andi %gather3A_219, %broadcast_in_dim3A_18 : vector<16xi32>
      %bitcast3A_225 = vector.bitcast %and3A_224 : vector<16xi32> to vector<16xf32>
      %add3A_226 = arith.addf %scan3A_142, %bitcast3A_223 : vector<16xf32>
      %add3A_227 = arith.addf %scan3A_143, %bitcast3A_225 : vector<16xf32>
      %add3A_228 = arith.constant 19200 : i32
      %add3A_229 = arith.addi %add3A_228, %scan3A_131 : i32
      %add3A_230 = vector.broadcast %add3A_229 : i32 to vector<16xi32>
      %add3A_231 = arith.addi %mul3A_17, %add3A_230 : vector<16xi32>
      %gather3A_232 = tpu.vector_load_idx %arg5[%add3A_231] : memref<25600xi32, #tpu.memory_space<vmem>>[vector<16xi32>], vector<16xi32>,
      %gather3A_233 = tpu.vector_load_idx %arg6[%gather3A_232] : memref<100000xi32, #tpu.memory_space<vmem>>[vector<16xi32>], vector<16xi32>,
      %shift_left3A_234 = arith.constant 16 : i32
      %shift_left3A_235 = vector.broadcast %shift_left3A_234 : i32 to vector<16xi32>
      %shift_left3A_236 = arith.shli %gather3A_233, %shift_left3A_235 : vector<16xi32>
      %bitcast3A_237 = vector.bitcast %shift_left3A_236 : vector<16xi32> to vector<16xf32>
      %and3A_238 = arith.andi %gather3A_233, %broadcast_in_dim3A_18 : vector<16xi32>
      %bitcast3A_239 = vector.bitcast %and3A_238 : vector<16xi32> to vector<16xf32>
      %add3A_240 = arith.addf %scan3A_144, %bitcast3A_237 : vector<16xf32>
      %add3A_241 = arith.addf %scan3A_145, %bitcast3A_239 : vector<16xf32>
      %add3A_242 = arith.constant 22400 : i32
      %add3A_243 = arith.addi %add3A_242, %scan3A_131 : i32
      %add3A_244 = vector.broadcast %add3A_243 : i32 to vector<16xi32>
      %add3A_245 = arith.addi %mul3A_17, %add3A_244 : vector<16xi32>
      %gather3A_246 = tpu.vector_load_idx %arg5[%add3A_245] : memref<25600xi32, #tpu.memory_space<vmem>>[vector<16xi32>], vector<16xi32>,
      %gather3A_247 = tpu.vector_load_idx %arg6[%gather3A_246] : memref<100000xi32, #tpu.memory_space<vmem>>[vector<16xi32>], vector<16xi32>,
      %shift_left3A_248 = arith.constant 16 : i32
      %shift_left3A_249 = vector.broadcast %shift_left3A_248 : i32 to vector<16xi32>
      %shift_left3A_250 = arith.shli %gather3A_247, %shift_left3A_249 : vector<16xi32>
      %bitcast3A_251 = vector.bitcast %shift_left3A_250 : vector<16xi32> to vector<16xf32>
      %and3A_252 = arith.andi %gather3A_247, %broadcast_in_dim3A_18 : vector<16xi32>
      %bitcast3A_253 = vector.bitcast %and3A_252 : vector<16xi32> to vector<16xf32>
      %add3A_254 = arith.addf %scan3A_146, %bitcast3A_251 : vector<16xf32>
      %add3A_255 = arith.addf %scan3A_147, %bitcast3A_253 : vector<16xf32>
      %scan3A_256 = arith.constant 1 : i32
      %scan3A_257 = arith.addi %scan3A_131, %scan3A_256 : i32
      %add3A_258 = arith.constant 0 : i32
      %add3A_259 = arith.addi %add3A_258, %scan3A_257 : i32
      %add3A_260 = vector.broadcast %add3A_259 : i32 to vector<16xi32>
      %add3A_261 = arith.addi %mul3A_17, %add3A_260 : vector<16xi32>
      %gather3A_262 = tpu.vector_load_idx %arg5[%add3A_261] : memref<25600xi32, #tpu.memory_space<vmem>>[vector<16xi32>], vector<16xi32>,
      %gather3A_263 = tpu.vector_load_idx %arg6[%gather3A_262] : memref<100000xi32, #tpu.memory_space<vmem>>[vector<16xi32>], vector<16xi32>,
      %shift_left3A_264 = arith.constant 16 : i32
      %shift_left3A_265 = vector.broadcast %shift_left3A_264 : i32 to vector<16xi32>
      %shift_left3A_266 = arith.shli %gather3A_263, %shift_left3A_265 : vector<16xi32>
      %bitcast3A_267 = vector.bitcast %shift_left3A_266 : vector<16xi32> to vector<16xf32>
      %and3A_268 = arith.andi %gather3A_263, %broadcast_in_dim3A_18 : vector<16xi32>
      %bitcast3A_269 = vector.bitcast %and3A_268 : vector<16xi32> to vector<16xf32>
      %add3A_270 = arith.addf %add3A_156, %bitcast3A_267 : vector<16xf32>
      %add3A_271 = arith.addf %add3A_157, %bitcast3A_269 : vector<16xf32>
      %add3A_272 = arith.constant 3200 : i32
      %add3A_273 = arith.addi %add3A_272, %scan3A_257 : i32
      %add3A_274 = vector.broadcast %add3A_273 : i32 to vector<16xi32>
      %add3A_275 = arith.addi %mul3A_17, %add3A_274 : vector<16xi32>
      %gather3A_276 = tpu.vector_load_idx %arg5[%add3A_275] : memref<25600xi32, #tpu.memory_space<vmem>>[vector<16xi32>], vector<16xi32>,
      %gather3A_277 = tpu.vector_load_idx %arg6[%gather3A_276] : memref<100000xi32, #tpu.memory_space<vmem>>[vector<16xi32>], vector<16xi32>,
      %shift_left3A_278 = arith.constant 16 : i32
      %shift_left3A_279 = vector.broadcast %shift_left3A_278 : i32 to vector<16xi32>
      %shift_left3A_280 = arith.shli %gather3A_277, %shift_left3A_279 : vector<16xi32>
      %bitcast3A_281 = vector.bitcast %shift_left3A_280 : vector<16xi32> to vector<16xf32>
      %and3A_282 = arith.andi %gather3A_277, %broadcast_in_dim3A_18 : vector<16xi32>
      %bitcast3A_283 = vector.bitcast %and3A_282 : vector<16xi32> to vector<16xf32>
      %add3A_284 = arith.addf %add3A_170, %bitcast3A_281 : vector<16xf32>
      %add3A_285 = arith.addf %add3A_171, %bitcast3A_283 : vector<16xf32>
      %add3A_286 = arith.constant 6400 : i32
      %add3A_287 = arith.addi %add3A_286, %scan3A_257 : i32
      %add3A_288 = vector.broadcast %add3A_287 : i32 to vector<16xi32>
      %add3A_289 = arith.addi %mul3A_17, %add3A_288 : vector<16xi32>
      %gather3A_290 = tpu.vector_load_idx %arg5[%add3A_289] : memref<25600xi32, #tpu.memory_space<vmem>>[vector<16xi32>], vector<16xi32>,
      %gather3A_291 = tpu.vector_load_idx %arg6[%gather3A_290] : memref<100000xi32, #tpu.memory_space<vmem>>[vector<16xi32>], vector<16xi32>,
      %shift_left3A_292 = arith.constant 16 : i32
      %shift_left3A_293 = vector.broadcast %shift_left3A_292 : i32 to vector<16xi32>
      %shift_left3A_294 = arith.shli %gather3A_291, %shift_left3A_293 : vector<16xi32>
      %bitcast3A_295 = vector.bitcast %shift_left3A_294 : vector<16xi32> to vector<16xf32>
      %and3A_296 = arith.andi %gather3A_291, %broadcast_in_dim3A_18 : vector<16xi32>
      %bitcast3A_297 = vector.bitcast %and3A_296 : vector<16xi32> to vector<16xf32>
      %add3A_298 = arith.addf %add3A_184, %bitcast3A_295 : vector<16xf32>
      %add3A_299 = arith.addf %add3A_185, %bitcast3A_297 : vector<16xf32>
      %add3A_300 = arith.constant 9600 : i32
      %add3A_301 = arith.addi %add3A_300, %scan3A_257 : i32
      %add3A_302 = vector.broadcast %add3A_301 : i32 to vector<16xi32>
      %add3A_303 = arith.addi %mul3A_17, %add3A_302 : vector<16xi32>
      %gather3A_304 = tpu.vector_load_idx %arg5[%add3A_303] : memref<25600xi32, #tpu.memory_space<vmem>>[vector<16xi32>], vector<16xi32>,
      %gather3A_305 = tpu.vector_load_idx %arg6[%gather3A_304] : memref<100000xi32, #tpu.memory_space<vmem>>[vector<16xi32>], vector<16xi32>,
      %shift_left3A_306 = arith.constant 16 : i32
      %shift_left3A_307 = vector.broadcast %shift_left3A_306 : i32 to vector<16xi32>
      %shift_left3A_308 = arith.shli %gather3A_305, %shift_left3A_307 : vector<16xi32>
      %bitcast3A_309 = vector.bitcast %shift_left3A_308 : vector<16xi32> to vector<16xf32>
      %and3A_310 = arith.andi %gather3A_305, %broadcast_in_dim3A_18 : vector<16xi32>
      %bitcast3A_311 = vector.bitcast %and3A_310 : vector<16xi32> to vector<16xf32>
      %add3A_312 = arith.addf %add3A_198, %bitcast3A_309 : vector<16xf32>
      %add3A_313 = arith.addf %add3A_199, %bitcast3A_311 : vector<16xf32>
      %add3A_314 = arith.constant 12800 : i32
      %add3A_315 = arith.addi %add3A_314, %scan3A_257 : i32
      %add3A_316 = vector.broadcast %add3A_315 : i32 to vector<16xi32>
      %add3A_317 = arith.addi %mul3A_17, %add3A_316 : vector<16xi32>
      %gather3A_318 = tpu.vector_load_idx %arg5[%add3A_317] : memref<25600xi32, #tpu.memory_space<vmem>>[vector<16xi32>], vector<16xi32>,
      %gather3A_319 = tpu.vector_load_idx %arg6[%gather3A_318] : memref<100000xi32, #tpu.memory_space<vmem>>[vector<16xi32>], vector<16xi32>,
      %shift_left3A_320 = arith.constant 16 : i32
      %shift_left3A_321 = vector.broadcast %shift_left3A_320 : i32 to vector<16xi32>
      %shift_left3A_322 = arith.shli %gather3A_319, %shift_left3A_321 : vector<16xi32>
      %bitcast3A_323 = vector.bitcast %shift_left3A_322 : vector<16xi32> to vector<16xf32>
      %and3A_324 = arith.andi %gather3A_319, %broadcast_in_dim3A_18 : vector<16xi32>
      %bitcast3A_325 = vector.bitcast %and3A_324 : vector<16xi32> to vector<16xf32>
      %add3A_326 = arith.addf %add3A_212, %bitcast3A_323 : vector<16xf32>
      %add3A_327 = arith.addf %add3A_213, %bitcast3A_325 : vector<16xf32>
      %add3A_328 = arith.constant 16000 : i32
      %add3A_329 = arith.addi %add3A_328, %scan3A_257 : i32
      %add3A_330 = vector.broadcast %add3A_329 : i32 to vector<16xi32>
      %add3A_331 = arith.addi %mul3A_17, %add3A_330 : vector<16xi32>
      %gather3A_332 = tpu.vector_load_idx %arg5[%add3A_331] : memref<25600xi32, #tpu.memory_space<vmem>>[vector<16xi32>], vector<16xi32>,
      %gather3A_333 = tpu.vector_load_idx %arg6[%gather3A_332] : memref<100000xi32, #tpu.memory_space<vmem>>[vector<16xi32>], vector<16xi32>,
      %shift_left3A_334 = arith.constant 16 : i32
      %shift_left3A_335 = vector.broadcast %shift_left3A_334 : i32 to vector<16xi32>
      %shift_left3A_336 = arith.shli %gather3A_333, %shift_left3A_335 : vector<16xi32>
      %bitcast3A_337 = vector.bitcast %shift_left3A_336 : vector<16xi32> to vector<16xf32>
      %and3A_338 = arith.andi %gather3A_333, %broadcast_in_dim3A_18 : vector<16xi32>
      %bitcast3A_339 = vector.bitcast %and3A_338 : vector<16xi32> to vector<16xf32>
      %add3A_340 = arith.addf %add3A_226, %bitcast3A_337 : vector<16xf32>
      %add3A_341 = arith.addf %add3A_227, %bitcast3A_339 : vector<16xf32>
      %add3A_342 = arith.constant 19200 : i32
      %add3A_343 = arith.addi %add3A_342, %scan3A_257 : i32
      %add3A_344 = vector.broadcast %add3A_343 : i32 to vector<16xi32>
      %add3A_345 = arith.addi %mul3A_17, %add3A_344 : vector<16xi32>
      %gather3A_346 = tpu.vector_load_idx %arg5[%add3A_345] : memref<25600xi32, #tpu.memory_space<vmem>>[vector<16xi32>], vector<16xi32>,
      %gather3A_347 = tpu.vector_load_idx %arg6[%gather3A_346] : memref<100000xi32, #tpu.memory_space<vmem>>[vector<16xi32>], vector<16xi32>,
      %shift_left3A_348 = arith.constant 16 : i32
      %shift_left3A_349 = vector.broadcast %shift_left3A_348 : i32 to vector<16xi32>
      %shift_left3A_350 = arith.shli %gather3A_347, %shift_left3A_349 : vector<16xi32>
      %bitcast3A_351 = vector.bitcast %shift_left3A_350 : vector<16xi32> to vector<16xf32>
      %and3A_352 = arith.andi %gather3A_347, %broadcast_in_dim3A_18 : vector<16xi32>
      %bitcast3A_353 = vector.bitcast %and3A_352 : vector<16xi32> to vector<16xf32>
      %add3A_354 = arith.addf %add3A_240, %bitcast3A_351 : vector<16xf32>
      %add3A_355 = arith.addf %add3A_241, %bitcast3A_353 : vector<16xf32>
      %add3A_356 = arith.constant 22400 : i32
      %add3A_357 = arith.addi %add3A_356, %scan3A_257 : i32
      %add3A_358 = vector.broadcast %add3A_357 : i32 to vector<16xi32>
      %add3A_359 = arith.addi %mul3A_17, %add3A_358 : vector<16xi32>
      %gather3A_360 = tpu.vector_load_idx %arg5[%add3A_359] : memref<25600xi32, #tpu.memory_space<vmem>>[vector<16xi32>], vector<16xi32>,
      %gather3A_361 = tpu.vector_load_idx %arg6[%gather3A_360] : memref<100000xi32, #tpu.memory_space<vmem>>[vector<16xi32>], vector<16xi32>,
      %shift_left3A_362 = arith.constant 16 : i32
      %shift_left3A_363 = vector.broadcast %shift_left3A_362 : i32 to vector<16xi32>
      %shift_left3A_364 = arith.shli %gather3A_361, %shift_left3A_363 : vector<16xi32>
      %bitcast3A_365 = vector.bitcast %shift_left3A_364 : vector<16xi32> to vector<16xf32>
      %and3A_366 = arith.andi %gather3A_361, %broadcast_in_dim3A_18 : vector<16xi32>
      %bitcast3A_367 = vector.bitcast %and3A_366 : vector<16xi32> to vector<16xf32>
      %add3A_368 = arith.addf %add3A_254, %bitcast3A_365 : vector<16xf32>
      %add3A_369 = arith.addf %add3A_255, %bitcast3A_367 : vector<16xf32>
      scf.yield %add3A_270, %add3A_271, %add3A_284, %add3A_285, %add3A_298, %add3A_299, %add3A_312, %add3A_313, %add3A_326, %add3A_327, %add3A_340, %add3A_341, %add3A_354, %add3A_355, %add3A_368, %add3A_369 : vector<16xf32>, vector<16xf32>, vector<16xf32>, vector<16xf32>, vector<16xf32>, vector<16xf32>, vector<16xf32>, vector<16xf32>, vector<16xf32>, vector<16xf32>, vector<16xf32>, vector<16xf32>, vector<16xf32>, vector<16xf32>, vector<16xf32>, vector<16xf32>
    }
    %scan3A_25 = arith.constant 200 : i32
    %mul3A_26 = arith.constant 5.000000e-03 : f32
    %mul3A_27 = vector.broadcast %mul3A_26 : f32 to vector<16xf32>
    %mul3A_28 = arith.mulf %scan3A_24#0, %mul3A_27 : vector<16xf32>
    %swap3A = arith.constant 0 : index
    %swap3A_29 = tpu.vector_load %arg7[%swap3A] {strides = array<i32>} : memref<256xf32, #tpu.memory_space<vmem>>, vector<16xf32>,
    tpu.vector_store %arg7[%swap3A], %mul3A_28 {strides = array<i32>} : memref<256xf32, #tpu.memory_space<vmem>>, vector<16xf32>,
    %mul3A_30 = arith.constant 5.000000e-03 : f32
    %mul3A_31 = vector.broadcast %mul3A_30 : f32 to vector<16xf32>
    %mul3A_32 = arith.mulf %scan3A_24#1, %mul3A_31 : vector<16xf32>
    %swap3A_33 = arith.constant 128 : index
    %swap3A_34 = tpu.vector_load %arg7[%swap3A_33] {strides = array<i32>} : memref<256xf32, #tpu.memory_space<vmem>>, vector<16xf32>,
    tpu.vector_store %arg7[%swap3A_33], %mul3A_32 {strides = array<i32>} : memref<256xf32, #tpu.memory_space<vmem>>, vector<16xf32>,
    %mul3A_35 = arith.constant 5.000000e-03 : f32
    %mul3A_36 = vector.broadcast %mul3A_35 : f32 to vector<16xf32>
    %mul3A_37 = arith.mulf %scan3A_24#2, %mul3A_36 : vector<16xf32>
    %swap3A_38 = arith.constant 16 : index
    %swap3A_39 = tpu.vector_load %arg7[%swap3A_38] {strides = array<i32>} : memref<256xf32, #tpu.memory_space<vmem>>, vector<16xf32>,
    tpu.vector_store %arg7[%swap3A_38], %mul3A_37 {strides = array<i32>} : memref<256xf32, #tpu.memory_space<vmem>>, vector<16xf32>,
    %mul3A_40 = arith.constant 5.000000e-03 : f32
    %mul3A_41 = vector.broadcast %mul3A_40 : f32 to vector<16xf32>
    %mul3A_42 = arith.mulf %scan3A_24#3, %mul3A_41 : vector<16xf32>
    %swap3A_43 = arith.constant 144 : index
    %swap3A_44 = tpu.vector_load %arg7[%swap3A_43] {strides = array<i32>} : memref<256xf32, #tpu.memory_space<vmem>>, vector<16xf32>,
    tpu.vector_store %arg7[%swap3A_43], %mul3A_42 {strides = array<i32>} : memref<256xf32, #tpu.memory_space<vmem>>, vector<16xf32>,
    %mul3A_45 = arith.constant 5.000000e-03 : f32
    %mul3A_46 = vector.broadcast %mul3A_45 : f32 to vector<16xf32>
    %mul3A_47 = arith.mulf %scan3A_24#4, %mul3A_46 : vector<16xf32>
    %swap3A_48 = arith.constant 32 : index
    %swap3A_49 = tpu.vector_load %arg7[%swap3A_48] {strides = array<i32>} : memref<256xf32, #tpu.memory_space<vmem>>, vector<16xf32>,
    tpu.vector_store %arg7[%swap3A_48], %mul3A_47 {strides = array<i32>} : memref<256xf32, #tpu.memory_space<vmem>>, vector<16xf32>,
    %mul3A_50 = arith.constant 5.000000e-03 : f32
    %mul3A_51 = vector.broadcast %mul3A_50 : f32 to vector<16xf32>
    %mul3A_52 = arith.mulf %scan3A_24#5, %mul3A_51 : vector<16xf32>
    %swap3A_53 = arith.constant 160 : index
    %swap3A_54 = tpu.vector_load %arg7[%swap3A_53] {strides = array<i32>} : memref<256xf32, #tpu.memory_space<vmem>>, vector<16xf32>,
    tpu.vector_store %arg7[%swap3A_53], %mul3A_52 {strides = array<i32>} : memref<256xf32, #tpu.memory_space<vmem>>, vector<16xf32>,
    %mul3A_55 = arith.constant 5.000000e-03 : f32
    %mul3A_56 = vector.broadcast %mul3A_55 : f32 to vector<16xf32>
    %mul3A_57 = arith.mulf %scan3A_24#6, %mul3A_56 : vector<16xf32>
    %swap3A_58 = arith.constant 48 : index
    %swap3A_59 = tpu.vector_load %arg7[%swap3A_58] {strides = array<i32>} : memref<256xf32, #tpu.memory_space<vmem>>, vector<16xf32>,
    tpu.vector_store %arg7[%swap3A_58], %mul3A_57 {strides = array<i32>} : memref<256xf32, #tpu.memory_space<vmem>>, vector<16xf32>,
    %mul3A_60 = arith.constant 5.000000e-03 : f32
    %mul3A_61 = vector.broadcast %mul3A_60 : f32 to vector<16xf32>
    %mul3A_62 = arith.mulf %scan3A_24#7, %mul3A_61 : vector<16xf32>
    %swap3A_63 = arith.constant 176 : index
    %swap3A_64 = tpu.vector_load %arg7[%swap3A_63] {strides = array<i32>} : memref<256xf32, #tpu.memory_space<vmem>>, vector<16xf32>,
    tpu.vector_store %arg7[%swap3A_63], %mul3A_62 {strides = array<i32>} : memref<256xf32, #tpu.memory_space<vmem>>, vector<16xf32>,
    %mul3A_65 = arith.constant 5.000000e-03 : f32
    %mul3A_66 = vector.broadcast %mul3A_65 : f32 to vector<16xf32>
    %mul3A_67 = arith.mulf %scan3A_24#8, %mul3A_66 : vector<16xf32>
    %swap3A_68 = arith.constant 64 : index
    %swap3A_69 = tpu.vector_load %arg7[%swap3A_68] {strides = array<i32>} : memref<256xf32, #tpu.memory_space<vmem>>, vector<16xf32>,
    tpu.vector_store %arg7[%swap3A_68], %mul3A_67 {strides = array<i32>} : memref<256xf32, #tpu.memory_space<vmem>>, vector<16xf32>,
    %mul3A_70 = arith.constant 5.000000e-03 : f32
    %mul3A_71 = vector.broadcast %mul3A_70 : f32 to vector<16xf32>
    %mul3A_72 = arith.mulf %scan3A_24#9, %mul3A_71 : vector<16xf32>
    %swap3A_73 = arith.constant 192 : index
    %swap3A_74 = tpu.vector_load %arg7[%swap3A_73] {strides = array<i32>} : memref<256xf32, #tpu.memory_space<vmem>>, vector<16xf32>,
    tpu.vector_store %arg7[%swap3A_73], %mul3A_72 {strides = array<i32>} : memref<256xf32, #tpu.memory_space<vmem>>, vector<16xf32>,
    %mul3A_75 = arith.constant 5.000000e-03 : f32
    %mul3A_76 = vector.broadcast %mul3A_75 : f32 to vector<16xf32>
    %mul3A_77 = arith.mulf %scan3A_24#10, %mul3A_76 : vector<16xf32>
    %swap3A_78 = arith.constant 80 : index
    %swap3A_79 = tpu.vector_load %arg7[%swap3A_78] {strides = array<i32>} : memref<256xf32, #tpu.memory_space<vmem>>, vector<16xf32>,
    tpu.vector_store %arg7[%swap3A_78], %mul3A_77 {strides = array<i32>} : memref<256xf32, #tpu.memory_space<vmem>>, vector<16xf32>,
    %mul3A_80 = arith.constant 5.000000e-03 : f32
    %mul3A_81 = vector.broadcast %mul3A_80 : f32 to vector<16xf32>
    %mul3A_82 = arith.mulf %scan3A_24#11, %mul3A_81 : vector<16xf32>
    %swap3A_83 = arith.constant 208 : index
    %swap3A_84 = tpu.vector_load %arg7[%swap3A_83] {strides = array<i32>} : memref<256xf32, #tpu.memory_space<vmem>>, vector<16xf32>,
    tpu.vector_store %arg7[%swap3A_83], %mul3A_82 {strides = array<i32>} : memref<256xf32, #tpu.memory_space<vmem>>, vector<16xf32>,
    %mul3A_85 = arith.constant 5.000000e-03 : f32
    %mul3A_86 = vector.broadcast %mul3A_85 : f32 to vector<16xf32>
    %mul3A_87 = arith.mulf %scan3A_24#12, %mul3A_86 : vector<16xf32>
    %swap3A_88 = arith.constant 96 : index
    %swap3A_89 = tpu.vector_load %arg7[%swap3A_88] {strides = array<i32>} : memref<256xf32, #tpu.memory_space<vmem>>, vector<16xf32>,
    tpu.vector_store %arg7[%swap3A_88], %mul3A_87 {strides = array<i32>} : memref<256xf32, #tpu.memory_space<vmem>>, vector<16xf32>,
    %mul3A_90 = arith.constant 5.000000e-03 : f32
    %mul3A_91 = vector.broadcast %mul3A_90 : f32 to vector<16xf32>
    %mul3A_92 = arith.mulf %scan3A_24#13, %mul3A_91 : vector<16xf32>
    %swap3A_93 = arith.constant 224 : index
    %swap3A_94 = tpu.vector_load %arg7[%swap3A_93] {strides = array<i32>} : memref<256xf32, #tpu.memory_space<vmem>>, vector<16xf32>,
    tpu.vector_store %arg7[%swap3A_93], %mul3A_92 {strides = array<i32>} : memref<256xf32, #tpu.memory_space<vmem>>, vector<16xf32>,
    %mul3A_95 = arith.constant 5.000000e-03 : f32
    %mul3A_96 = vector.broadcast %mul3A_95 : f32 to vector<16xf32>
    %mul3A_97 = arith.mulf %scan3A_24#14, %mul3A_96 : vector<16xf32>
    %swap3A_98 = arith.constant 112 : index
    %swap3A_99 = tpu.vector_load %arg7[%swap3A_98] {strides = array<i32>} : memref<256xf32, #tpu.memory_space<vmem>>, vector<16xf32>,
    tpu.vector_store %arg7[%swap3A_98], %mul3A_97 {strides = array<i32>} : memref<256xf32, #tpu.memory_space<vmem>>, vector<16xf32>,
    %mul3A_100 = arith.constant 5.000000e-03 : f32
    %mul3A_101 = vector.broadcast %mul3A_100 : f32 to vector<16xf32>
    %mul3A_102 = arith.mulf %scan3A_24#15, %mul3A_101 : vector<16xf32>
    %swap3A_103 = arith.constant 240 : index
    %swap3A_104 = tpu.vector_load %arg7[%swap3A_103] {strides = array<i32>} : memref<256xf32, #tpu.memory_space<vmem>>, vector<16xf32>,
    tpu.vector_store %arg7[%swap3A_103], %mul3A_102 {strides = array<i32>} : memref<256xf32, #tpu.memory_space<vmem>>, vector<16xf32>,
    %dma_start3A_105 = arith.constant 0 : i32
    %dma_start3A_106 = tpu.memref_slice %arg7[%dma_start3A_105] : memref<256xf32, #tpu.memory_space<vmem>> -> memref<128xf32, #tpu.memory_space<vmem>>
    %dma_start3A_107 = tpu.memref_slice %arg4[%mul3A_2] : memref<8192xf32, #tpu.memory_space<hbm>> -> memref<128xf32, #tpu.memory_space<hbm>>
    %dma_start3A_108 = tpu.memref_slice %arg4[%mul3A_2] : memref<8192xf32, #tpu.memory_space<hbm>> -> memref<128xf32, #tpu.memory_space<hbm>>
    %dma_start3A_109 = arith.constant 0 : i32
    %dma_start3A_110 = tpu.memref_slice %arg7[%dma_start3A_109] : memref<256xf32, #tpu.memory_space<vmem>> -> memref<128xf32, #tpu.memory_space<vmem>>
    tpu.enqueue_dma source(%dma_start3A_110 : memref<128xf32, #tpu.memory_space<vmem>>) target(%dma_start3A_108 : memref<128xf32, #tpu.memory_space<hbm>>) target_semaphore(%arg8 : memref<!tpu.dma_semaphore, #tpu.memory_space<semaphore_mem>>)
    %add3A_111 = arith.constant 4096 : i32
    %add3A_112 = arith.addi %add3A_111, %mul3A_2 : i32
    %dma_start3A_113 = arith.constant 128 : i32
    %dma_start3A_114 = tpu.memref_slice %arg7[%dma_start3A_113] : memref<256xf32, #tpu.memory_space<vmem>> -> memref<128xf32, #tpu.memory_space<vmem>>
    %dma_start3A_115 = tpu.memref_slice %arg4[%add3A_112] : memref<8192xf32, #tpu.memory_space<hbm>> -> memref<128xf32, #tpu.memory_space<hbm>>
    %dma_start3A_116 = tpu.memref_slice %arg4[%add3A_112] : memref<8192xf32, #tpu.memory_space<hbm>> -> memref<128xf32, #tpu.memory_space<hbm>>
    %dma_start3A_117 = arith.constant 128 : i32
    %dma_start3A_118 = tpu.memref_slice %arg7[%dma_start3A_117] : memref<256xf32, #tpu.memory_space<vmem>> -> memref<128xf32, #tpu.memory_space<vmem>>
    tpu.enqueue_dma source(%dma_start3A_118 : memref<128xf32, #tpu.memory_space<vmem>>) target(%dma_start3A_116 : memref<128xf32, #tpu.memory_space<hbm>>) target_semaphore(%arg9 : memref<!tpu.dma_semaphore, #tpu.memory_space<semaphore_mem>>)
    %dma_wait3A_119 = arith.constant 0 : i32
    %dma_wait3A_120 = tpu.memref_slice %arg7[%dma_wait3A_119] : memref<256xf32, #tpu.memory_space<vmem>> -> memref<128xf32, #tpu.memory_space<vmem>>
    %dma_wait3A_121 = tpu.memref_slice %arg4[%mul3A_2] : memref<8192xf32, #tpu.memory_space<hbm>> -> memref<128xf32, #tpu.memory_space<hbm>>
    %dma_wait3A_122 = tpu.memref_slice %arg4[%mul3A_2] : memref<8192xf32, #tpu.memory_space<hbm>> -> memref<128xf32, #tpu.memory_space<hbm>>
    %dma_wait3A_123 = arith.constant 0 : i32
    %dma_wait3A_124 = tpu.memref_slice %arg7[%dma_wait3A_123] : memref<256xf32, #tpu.memory_space<vmem>> -> memref<128xf32, #tpu.memory_space<vmem>>
    tpu.wait_dma2 semaphore(%arg8 : memref<!tpu.dma_semaphore, #tpu.memory_space<semaphore_mem>>) src(%dma_wait3A_124 : memref<128xf32, #tpu.memory_space<vmem>>) dst(%dma_wait3A_122 : memref<128xf32, #tpu.memory_space<hbm>>)
    %dma_wait3A_125 = arith.constant 128 : i32
    %dma_wait3A_126 = tpu.memref_slice %arg7[%dma_wait3A_125] : memref<256xf32, #tpu.memory_space<vmem>> -> memref<128xf32, #tpu.memory_space<vmem>>
    %dma_wait3A_127 = tpu.memref_slice %arg4[%add3A_112] : memref<8192xf32, #tpu.memory_space<hbm>> -> memref<128xf32, #tpu.memory_space<hbm>>
    %dma_wait3A_128 = tpu.memref_slice %arg4[%add3A_112] : memref<8192xf32, #tpu.memory_space<hbm>> -> memref<128xf32, #tpu.memory_space<hbm>>
    %dma_wait3A_129 = arith.constant 128 : i32
    %dma_wait3A_130 = tpu.memref_slice %arg7[%dma_wait3A_129] : memref<256xf32, #tpu.memory_space<vmem>> -> memref<128xf32, #tpu.memory_space<vmem>>
    tpu.wait_dma2 semaphore(%arg9 : memref<!tpu.dma_semaphore, #tpu.memory_space<semaphore_mem>>) src(%dma_wait3A_130 : memref<128xf32, #tpu.memory_space<vmem>>) dst(%dma_wait3A_128 : memref<128xf32, #tpu.memory_space<hbm>>)
    return
  }
}

module attributes {stable_mosaic.version = 14 : i64} {
  func.func @_tc_project_body(%arg0: i32, %arg1: memref<2x64xf32, #tpu.memory_space<vmem>>, %arg2: memref<2x1xf32, #tpu.memory_space<vmem>>, %arg3: memref<12800x64xf32, #tpu.memory_space<vmem>>, %arg4: memref<1x1x12800xi32, #tpu.memory_space<vmem>>) attributes {dimension_semantics = [#tpu.dimension_semantics<arbitrary>], iteration_bounds = array<i64: 8>, scalar_prefetch = 0 : i64, scratch_operands = 0 : i64, tpu.core_type = #tpu.core_type<tc>, window_params = [{pipeline_mode = #tpu.pipeline_mode<synchronous>, transform_indices = @transform_0, window_bounds = array<i64: 2, 64>}, {pipeline_mode = #tpu.pipeline_mode<synchronous>, transform_indices = @transform_1, window_bounds = array<i64: 2, 1>}, {transform_indices = @transform_2, window_bounds = array<i64: 12800, 64>}, {transform_indices = @transform_3, window_bounds = array<i64: 1, 1, 12800>}]} {
    %get3A = arith.constant 0 : index
    %get3A_0 = arith.constant 0 : index
    %get3A_1 = vector.load %arg1[%get3A, %get3A_0] : memref<2x64xf32, #tpu.memory_space<vmem>>, vector<2x64xf32>
    %get3A_2 = arith.constant 0 : index
    %get3A_3 = arith.constant 0 : index
    %get3A_4 = vector.load %arg3[%get3A_2, %get3A_3] : memref<12800x64xf32, #tpu.memory_space<vmem>>, vector<12800x64xf32>
    %dot_general3A = arith.constant dense<0.000000e+00> : vector<2x12800xf32>
    %dot_general3A_5 = tpu.matmul %get3A_1, %get3A_4, %dot_general3A {dimension_numbers = #tpu.dot_dimension_numbers<[1], [1], [0], [0], [0, 0, 1, 0], [], []>, transpose_lhs_hint = false} : vector<2x64xf32>, vector<12800x64xf32>, vector<2x12800xf32> -> vector<2x12800xf32>
    %get3A_6 = arith.constant 0 : index
    %get3A_7 = arith.constant 0 : index
    %get3A_8 = vector.load %arg2[%get3A_6, %get3A_7] : memref<2x1xf32, #tpu.memory_space<vmem>>, vector<2x1xf32>
    %add3A = vector.broadcast %get3A_8 : vector<2x1xf32> to vector<2x12800xf32>
    %add3A_9 = arith.addf %dot_general3A_5, %add3A : vector<2x12800xf32>
    %slice3A = vector.extract_strided_slice %add3A_9 {offsets = [0, 0], sizes = [1, 12800], strides = [1, 1]} : vector<2x12800xf32> to vector<1x12800xf32>
    %convert_element_type3A = arith.truncf %slice3A : vector<1x12800xf32> to vector<1x12800xbf16>
    %bitcast_convert_type3A = tpu.bitcast %convert_element_type3A : vector<1x12800xbf16> -> vector<1x12800xi16>
    %slice3A_10 = vector.extract_strided_slice %add3A_9 {offsets = [1, 0], sizes = [1, 12800], strides = [1, 1]} : vector<2x12800xf32> to vector<1x12800xf32>
    %convert_element_type3A_11 = arith.truncf %slice3A_10 : vector<1x12800xf32> to vector<1x12800xbf16>
    %bitcast_convert_type3A_12 = tpu.bitcast %convert_element_type3A_11 : vector<1x12800xbf16> -> vector<1x12800xi16>
    %convert_element_type3A_13 = arith.extui %bitcast_convert_type3A : vector<1x12800xi16> to vector<1x12800xi32>
    %convert_element_type3A_14 = arith.extui %bitcast_convert_type3A_12 : vector<1x12800xi16> to vector<1x12800xi32>
    %shift_left3A = arith.constant 16 : i32
    %shift_left3A_15 = vector.broadcast %shift_left3A : i32 to vector<1x12800xi32>
    %shift_left3A_16 = arith.shli %convert_element_type3A_14, %shift_left3A_15 : vector<1x12800xi32>
    %or3A = arith.ori %convert_element_type3A_13, %shift_left3A_16 : vector<1x12800xi32>
    %bitcast_convert_type3A_17 = tpu.bitcast %or3A : vector<1x12800xi32> -> vector<1x12800xi32>
    %broadcast_in_dim3A = vector.shape_cast %bitcast_convert_type3A_17 : vector<1x12800xi32> to vector<1x1x12800xi32>
    %swap3A = arith.constant 0 : index
    %swap3A_18 = arith.constant 0 : index
    %swap3A_19 = arith.constant 0 : index
    %swap3A_20 = vector.load %arg4[%swap3A, %swap3A_18, %swap3A_19] : memref<1x1x12800xi32, #tpu.memory_space<vmem>>, vector<1x1x12800xi32>
    tpu.vector_store %arg4[%swap3A, %swap3A_18, %swap3A_19], %broadcast_in_dim3A {strides = array<i32>} : memref<1x1x12800xi32, #tpu.memory_space<vmem>>, vector<1x1x12800xi32>,
    return
  }
  func.func @transform_0(%arg0: i32) -> (i32, i32) {
    %c0_i32 = arith.constant 0 : i32
    %c0_i32_0 = arith.constant 0 : i32
    %c0_i32_1 = arith.constant 0 : i32
    return %c0_i32, %c0_i32_0 : i32, i32
  }
  func.func @transform_1(%arg0: i32) -> (i32, i32) {
    %c0_i32 = arith.constant 0 : i32
    %c0_i32_0 = arith.constant 0 : i32
    %c0_i32_1 = arith.constant 0 : i32
    return %c0_i32, %c0_i32_0 : i32, i32
  }
  func.func @transform_2(%arg0: i32) -> (i32, i32) {
    %c0_i32 = arith.constant 0 : i32
    %c0_i32_0 = arith.constant 0 : i32
    return %arg0, %c0_i32 : i32, i32
  }
  func.func @transform_3(%arg0: i32) -> (i32, i32, i32) {
    %c0_i32 = arith.constant 0 : i32
    %c0_i32_0 = arith.constant 0 : i32
    %c0_i32_1 = arith.constant 0 : i32
    return %arg0, %c0_i32, %c0_i32_0 : i32, i32, i32
  }
}

</mosaic_0001>

<sc_bundles>
// kernel: kernel.4.cloned.1.call-start
scs
__scs_entry_jumppad:
0x0: {  	(pc) =	sbr.rel $0x88, $3  }
0x1: {  	(tag) =	ssettag $0x0;
	lr =	simm.s32 $0x1  }
0x2: {  	[smem:$0x3F9D] =	sst lr;
	_ =	strace $0xD0000000  }
0x3: {  	_ = 	snop  }
0x4: {  	_ = 	snop  }
0x5: {  	_ = 	snop  }
0x6: {  	_ = 	snop  }
0x7: {  	_ = 	snop  }
__scs_overlays_trampoline_lowered:
0x8: {  	[smem:$0x3FAC] =	sst s0  }
0x9: {  	[smem:$0x3FAD] =	sst s1  }
0xa: {  	[smem:$0x3FAE] =	sst s2  }
0xb: {  	[smem:$0x3FAF] =	sst s3  }
0xc: {  	[smem:$0x3FB0] =	sst s4  }
0xd: {  	[smem:$0x3FB1] =	sst s5  }
0xe: {  	[smem:$0x3FB2] =	sst s6  }
0xf: {  	[smem:$0x3FB3] =	sst s7  }
0x10: {  	[smem:$0x3FB4] =	sst s8  }
0x11: {  	[smem:$0x3FB5] =	sst s9;
	s0 =	simm.s32 @!p0 $0x0  }
0x12: {  	s1 =	sld [smem:$0x3F9B];
	s0 =	simm.s32 @p0 $0x1  }
0x13: {  	[smem:$0x3FB6] =	sst s0;
	s0 =	simm.s32 @!p1 $0x0  }
0x14: {  	s2 =	sld [smem:$0x3F9A];
	s0 =	simm.s32 @p1 $0x1  }
0x15: {  	[smem:$0x3FB7] =	sst s0;
	s0 =	simm.s32 @!p2 $0x0  }
0x16: {  	s3 =	sld [smem:$0x3FDB];
	s0 =	simm.s32 @p2 $0x1  }
0x17: {  	s4 =	simm.s32 $0x1BF5;
	[smem:$0x3FB9] =	sst s0  }
0x18: {  	s0 =	sld [smem:$0x3F9C];
	_ =	swait.ge [sflag:s4], $0x0  }
0x19: {  	s7 =	sld [smem:$0x3F9D]  }
0x1a: {  	s8 =	sadd.s32 $0xFFFFE003, lr  }
0x1b: {  	s9 =	sadd.s32 $0xFFFFFEF7, lr;
	s5 =	simm.s32 $0xFFFFFFFF;
	p2 =	slt.u32 s8, $0xFFFFF086  }
0x1c: {  	p1 =	slt.u32 s9, $0xF7A;
	s5 =	simm.s32 @!p2 $0x0  }
0x1d: {  	s5 =	simm.s32 @p1 $0x1;
	p0 =	seq.s32 s7, s2  }
0x1e: {  	s7 =	smul.u32 @!p0 $0xF7A, s2;
	p2 =	seq.s32 @!p0 s5, $0x0  }
0x1f: {  	s9 =	smul.u32 $0xF7A, s1;
	s8 =	simm.s32 @!p0 $0x1BF5;
	p2 =	por !p2, p0  }
0x20: {  	[sflag:s8] =	ssyncset.s32 @!p0 $0xFFFFF086;
	s6 =	sadd.s32 @!p0 s3, s7;
	s7 =	simm.s32 @!p0 $0x108  }
0x21: {  	s3 =	sadd.s32 s3, s9;
	s6 =	sadd.s32 @!p0 $0x88, s6;
	s7 =	simm.s32 @p2 $0x1082  }
0x22: {  	[simem:s7], [sflag:s8] =	dma.local @!p0 [hbm:s6], $0xF7A  }
0x23: {  	s9 =	sor.u32 $0xD0000000, s2;
	s6 =	simm.s32 $0x108;
	_ =	swait.ge @!p0 [sflag:s8], $0x0  }
0x24: {  	s3 =	sadd.s32 $0x88, s3;
	s6 =	simm.s32 @!p1 $0x1082;
	[sflag:s4] =	ssyncset.s32 $0xFFFFF086  }
0x25: {  	[simem:s6], [sflag:s4] =	dma.local [hbm:s3], $0xF7A  }
0x26: {  	[smem:$0x3F9D] =	sst s1;
	(tag) =	ssettag s2;
	_ =	strace s9  }
0x27: {  	s1 =	sld [smem:$0x3FAD]  }
0x28: {  	s2 =	sld [smem:$0x3FAE]  }
0x29: {  	s4 =	sld [smem:$0x3FB0]  }
0x2a: {  	p0 =	seq.s32 s5, $0x0;
	s5 =	sld [smem:$0x3FB1]  }
0x2b: {  	s6 =	sld [smem:$0x3FB2]  }
0x2c: {  	s7 =	sld [smem:$0x3FB3]  }
0x2d: {  	s3 =	simm.s32 $0x108;
	s8 =	sld [smem:$0x3FB4]  }
0x2e: {  	s3 =	simm.s32 @!p0 $0x1082;
	s9 =	sld [smem:$0x3FB5]  }
0x2f: {  	lr =	sadd.s32 s0, s3;
	s0 =	sld [smem:$0x3FAC]  }
0x30: {  	s3 =	sld [smem:$0x3FAF]  }
0x31: {  	[smem:$0x3FB8] =	sst s10  }
0x32: {  	s10 =	sld [smem:$0x3FB6];
	_ =	sdelay $0x3  }
0x33: {  	p0 =	seq.s32 s10, $0x1;
	s10 =	sld [smem:$0x3FB8];
	_ =	sdelay $0x3  }
0x34: {  	[smem:$0x3FB8] =	sst s10  }
0x35: {  	s10 =	sld [smem:$0x3FB7];
	_ =	sdelay $0x3  }
0x36: {  	p1 =	seq.s32 s10, $0x1;
	s10 =	sld [smem:$0x3FB8];
	_ =	sdelay $0x3  }
0x37: {  	[smem:$0x3FB8] =	sst s10  }
0x38: {  	s10 =	sld [smem:$0x3FB9]  }
0x39: {  	_ = 	snop;
	(pc) =	sbr.ind lr, $3  }
0x3a: {  	_ = 	snop  }
0x3b: {  	_ = 	snop  }
0x3c: {  	p2 =	seq.s32 s10, $0x1;
	s10 =	sld [smem:$0x3FB8]  }
0x3d: {  	_ =	shalt  }
0x3e: {  	_ =	shalt  }
0x3f: {  	_ =	shalt  }
0x40: {  	_ =	shalt  }
0x41: {  	_ =	shalt  }
0x42: {  	_ =	shalt  }
0x43: {  	_ =	shalt  }
0x44: {  	_ =	shalt  }
0x45: {  	_ =	shalt  }
0x46: {  	_ =	shalt  }
0x47: {  	_ =	shalt  }
0x48: {  	_ =	shalt  }
0x49: {  	_ =	shalt  }
0x4a: {  	_ =	shalt  }
0x4b: {  	_ =	shalt  }
0x4c: {  	_ =	shalt  }
0x4d: {  	_ =	shalt  }
0x4e: {  	_ =	shalt  }
0x4f: {  	_ =	shalt  }
0x50: {  	_ =	shalt  }
0x51: {  	_ =	shalt  }
0x52: {  	_ =	shalt  }
0x53: {  	_ =	shalt  }
0x54: {  	_ =	shalt  }
0x55: {  	_ =	shalt  }
0x56: {  	_ =	shalt  }
0x57: {  	_ =	shalt  }
0x58: {  	_ =	shalt  }
0x59: {  	_ =	shalt  }
0x5a: {  	_ =	shalt  }
0x5b: {  	_ =	shalt  }
0x5c: {  	_ =	shalt  }
0x5d: {  	_ =	shalt  }
0x5e: {  	_ =	shalt  }
0x5f: {  	_ =	shalt  }
0x60: {  	_ =	shalt  }
0x61: {  	_ =	shalt  }
0x62: {  	_ =	shalt  }
0x63: {  	_ =	shalt  }
0x64: {  	_ =	shalt  }
0x65: {  	_ =	shalt  }
0x66: {  	_ =	shalt  }
0x67: {  	_ =	shalt  }
0x68: {  	_ =	shalt  }
0x69: {  	_ =	shalt  }
0x6a: {  	_ =	shalt  }
0x6b: {  	_ =	shalt  }
0x6c: {  	_ =	shalt  }
0x6d: {  	_ =	shalt  }
0x6e: {  	_ =	shalt  }
0x6f: {  	_ =	shalt  }
0x70: {  	_ =	shalt  }
0x71: {  	_ =	shalt  }
0x72: {  	_ =	shalt  }
0x73: {  	_ =	shalt  }
0x74: {  	_ =	shalt  }
0x75: {  	_ =	shalt  }
0x76: {  	_ =	shalt  }
0x77: {  	_ =	shalt  }
0x78: {  	_ =	shalt  }
0x79: {  	_ =	shalt  }
0x7a: {  	_ =	shalt  }
0x7b: {  	_ =	shalt  }
0x7c: {  	_ =	shalt  }
0x7d: {  	_ =	shalt  }
0x7e: {  	_ =	shalt  }
0x7f: {  	_ =	shalt  }
0x80: {  	_ =	shalt  }
0x81: {  	_ =	shalt  }
0x82: {  	_ =	shalt  }
0x83: {  	_ =	shalt  }
0x84: {  	_ =	shalt  }
0x85: {  	_ =	shalt  }
0x86: {  	_ =	shalt  }
0x87: {  	_ =	shalt  }
.Lfunc_end0:
.L_simem_size_0:
called_computation_lowered:
.L_overlay_start_0:
0x88: {  	s2 =	sld [smem:$0x3FD9]  }
0x89: {  	s3 =	sld [smem:$0x3FFE];
	_ =	sdelay $0x1  }
0x8a: {  	s1 =	srdreg.scid  }
0x8b: {  	s0 =	sand.u32 $0x1, s1  }
0x8c: {  	s16 =	sshll.u32 s0, $0xA;
	s2 =	sadd.s32 s3, s2  }
0x8d: {  	s2 =	sadd.s32 s2, s16  }
0x8e: {  	[smem:$0x3FC4] =	sst s2  }
0x8f: {  	_ = 	snop  }
0x90: {  	(tm) =	ssettm $0x1  }
0x91: {  	s17 =	sld [smem:$0x3FFB];
	_ =	sdelay $0x3  }
0x92: {  	_ =	strace s17  }
0x93: {  	s2 =	sld [smem:$0x3FFC];
	_ =	sdelay $0x3  }
0x94: {  	_ =	strace s2  }
0x95: {  	s2 =	sld [smem:$0x3FFD];
	_ =	sdelay $0x3  }
0x96: {  	_ =	strace s2  }
0x97: {  	_ =	strace $0x8FFFFFFF  }
0x98: {  	s18 =	sld [smem:$0x3FDB];
	_ =	sdelay $0x1  }
0x99: {  	s19 =	simm.s32 $_scs_section_size  }
0x9a: {  	s4 =	simm.s32 $_size__tile_overlayer_lowered;
	s5 =	simm.s32 $_tile_overlayer_lowered  }
0x9b: {  	s22 =	simm.s32 $0x1BFF;
	s21 =	sshll.u32 s5, $0x1;
	s2 =	sadd.s32 s19, s18  }
0x9c: {  	s6 =	simm.s32 $0x0;
	s20 =	sshll.u32 s4, $0x1;
	s4 =	sadd.s32 s21, s2  }
0x9d: {  	[timem:s6], [sflag:s22] =	dma.local [hbm:s4], s20  }
0x9e: {  	_ =	swait.ge [sflag:s22], s20  }
0x9f: {  	s3 =	ssub.s32 $0x0, s20;
	[sflag:s22] =	ssyncset.done $0x0  }
0xa0: {  	[sflag:s22] =	ssyncadd.s32 s3;
	_ =	sdelay $0x1  }
0xa1: {  	s23 =	simm.s32 $0x1B8B  }
0xa2: {  	_ =	swait.ge [sflag:s23], $0x1  }
0xa3: {  	[sflag:s23] =	ssyncset.done $0x0  }
0xa4: {  	s25 =	simm.s32 $0x1B8E;
	s24 =	sld [smem:$0x3FFE];
	[sflag:s23] =	ssyncadd.s32 $0xFFFFFFFF  }
0xa5: {  	s26 =	simm.s32 $execute0_lowered;
	[smem:$0x3FD2] =	sst s25  }
0xa6: {  	s4 =	sshll.u32 s26, $0x1;
	_ =	strace $0x80000046;
	[dreg:$0x1] =	wrdreg $0xFFFFFFFF  }
0xa7: {  	s28 =	simm.s32 $_size_execute0_lowered;
	s2 =	sadd.s32 s2, s4;
	[dreg:$0x0] =	wrdreg $0x0  }
0xa8: {  	s4 =	sshll.u32 s28, $0x1;
	[dreg:$0x2] =	wrdreg s2  }
0xa9: {  	[dreg:$0x3] =	wrdreg s4  }
0xaa: {  	[dreg:$0x4] =	wrdreg $0xC0  }
0xab: {  	_ =	task [dreg:s6], $0x5FFFF  }
0xac: {  	[dreg:$0x1] =	wrdreg $0xFFFFFFFF  }
0xad: {  	[dreg:$0x0] =	wrdreg $0x60  }
0xae: {  	[dreg:$0x2] =	wrdreg s24  }
0xaf: {  	[dreg:$0x3] =	wrdreg $0x9  }
0xb0: {  	_ =	task.clear_ibuf [dreg:s6], $0x4FFFF;
	_ =	strace $0x90000046  }
0xb1: {  	s29 =	simm.s32 $0x9;
	_ =	strace $0x80000048  }
0xb2: {  	_ =	swait.ge [sflag:s29], $0x1  }
0xb3: {  	[sflag:s29] =	ssyncadd.s32 $0xFFFFFFFF  }
0xb4: {  	_ =	strace $0x90000048  }
0xb5: {  	_ =	sfence  }
0xb6: {  	s30 =	sld [smem:$0x0];
	_ =	sdelay $0x2  }
0xb7: {  	s31 =	sshll.u32 s1, $0xD;
	s1 =	sshrl.u32 s1, $0x2  }
0xb8: {  	s3 =	sand.u32 $0x4000, s31;
	s1 =	sadd.s32 s1, s30  }
0xb9: {  	s0 =	sor.u32 s3, s0;
	s1 =	sshll.u32 s1, $0x11  }
0xba: {  	s0 =	sor.u32 s1, s0  }
0xbb: {  	s0 =	sadd.s32 $0x8F2B, s0  }
0xbc: {  	[sflag:s0] =	ssyncadd.remote.s32 $0x1  }
0xbd: {  	_ =	sfence.sel $0xFFFF  }
0xbe: {  	[dreg:$0x0] =	wrdreg $0xFFFFFFFF;
	(pc) =	sbr.abs _section_cstart, $3  }
0xbf: {  	[dreg:$0x1] =	wrdreg $0xFFFFFFFF  }
0xc0: {  	_ =	task.clear_ibuf [dreg:s6], $0x2FFFF;
	_ =	strace $0x9FFFFFFF  }
0xc1: {  	(tm) =	ssettm $0x7FFFFFFF  }
tec
execute0_lowered:
.L_overlay_start_1:
0x0: {  	(tag) =	ssettag $0x1  }
0x1: {  	s1 =	srdreg.scid  }
0x2: {  	s0 =	stileid.u32;
	s4 =	rddreg [dreg:$0x0];
	s2 =	simm.s32 $0x0  }
0x3: {  	s9 =	simm.s32 $0x2;
	s10 =	simm.s32 $0x1;
	s11 =	simm.s32 $0x1EB00  }
0x4: {  	s12 =	simm.s32 $0x1EB80;
	s5 =	sand.u32 $0x1, s1;
	s1 =	rddreg [dreg:$0x1]  }
0x5: {  	s13 =	simm.s32 $0x0;
	s3 =	sshll.u32 s0, $0x1;
	[smem:$0x7FF] =	sst s2  }
0x6: {  	s6 =	sor.u32 s5, s3;
	_ =	strace $0x80000047;
	s5 =	ssub.s32 $0x2, s5  }
0x7: {  	s7 =	smul.u32 $0xC80, s6;
	s6 =	sshll.u32 s6, $0x4;
	s8 =	sshrl.u32 s5, $0x1  }
0x8: {  	s3 =	sadd.s32 $0xC00, s4;
	s6 =	sadd.s32 s6, s4;
	s8 =	ssub.s32 s5, s8  }
0x9: {  	v0 =	vlaneseq.u32;
	s7 =	sadd.s32 s7, s4;
	s5 =	sadd.s32 $0x3E00, s6;
	s6 =	sadd.s32 $0x4000, s6  }
0xa: {  	v0 =	vmul.u32 $0xC8, v0;
	s4 =	sadd.s32 $0x187600, s7;
	s7 =	smax.u32 s8, $0x1;
	s8 =	simm.s32 $0x6400  }
.LBB2_1:
0xb: {  	[tilespmem:s8], [sflag:$0x1] =	stream.linear.gather [hbm4b:s3+s2], $0x186A0, $0x38;
	[tilespmem:$0x1EC00] =	vst v63  }
0xc: {  	_ = 	snop  }
0xd: {  	[tilespmem:s2], [sflag:$0x2] =	stream.linear.gather [hbm4b:s4+s2], $0x6400, $0x38;
	[tilespmem:$0x1EC00] =	vst v63  }
0xe: {  	_ =	swait.ge [sflag:s9], $0x6400  }
0xf: {  	s14 =	simm.s32 $0xC80;
	v1 =	vadd.s32 s2, v0;
	[sflag:s9] =	ssyncset.done $0x0  }
0x10: {  	s15 =	simm.s32 $0xC81;
	v2 =	vadd.s32 s14, v0;
	[sflag:s9] =	ssyncadd.s32 $0xFFFF9C00  }
0x11: {  	s18 =	simm.s32 $0x2581;
	v3 =	vadd.s32 s15, v0;
	_ =	swait.ge [sflag:s10], $0x186A0  }
0x12: {  	s19 =	simm.s32 $0x3201;
	v4 =	vadd.s32 s18, v0;
	[sflag:s10] =	ssyncset.done $0x0  }
0x13: {  	s20 =	simm.s32 $0x4B01;
	v5 =	vadd.s32 s19, v0;
	[sflag:s10] =	ssyncadd.s32 $0xFFFE7960  }
0x14: {  	s21 =	simm.s32 $0x3200;
	v6 =	vadd.s32 s20, v0;
	v7 =	vld.idx.msk [tilespmem:v1+s2+$0x0], $0xffff  }
0x15: {  	s22 =	simm.s32 $0x1900;
	v8 =	vadd.s32 s21, v0;
	v2 =	vld.idx.msk [tilespmem:v2+s2+$0x0], $0xffff  }
0x16: {  	s23 =	simm.s32 $0x3E81;
	v10 =	vadd.s32 s22, v0;
	v3 =	vld.idx.msk [tilespmem:v3+s2+$0x0], $0xffff  }
0x17: {  	s26 =	simm.s32 $0x4B00;
	v11 =	vadd.s32 s23, v0;
	v4 =	vld.idx.msk [tilespmem:v4+s2+$0x0], $0xffff  }
0x18: {  	s31 =	simm.s32 $0x1901;
	v12 =	vadd.s32 s26, v0;
	v1 =	vld.idx.msk [tilespmem:v5+s2+$0x0], $0xffff  }
0x19: {  	s24 =	simm.s32 $0x2580;
	v16 =	vadd.s32 s31, v0;
	v9 =	vld.idx.msk [tilespmem:v6+s2+$0x0], $0xffff  }
0x1a: {  	s25 =	simm.s32 $0x3E80;
	v5 =	vadd.s32 s24, v0;
	v8 =	vld.idx.msk [tilespmem:v8+s2+$0x0], $0xffff  }
0x1b: {  	v6 =	vadd.s32 s25, v0;
	v10 =	vld.idx.msk [tilespmem:v10+s2+$0x0], $0xffff  }
0x1c: {  	v19 =	vld.idx.msk [tilespmem:v11+s2+$0x0], $0xffff  }
0x1d: {  	v12 =	vld.idx.msk [tilespmem:v12+s2+$0x0], $0xffff  }
0x1e: {  	v28 =	vld.idx.msk [tilespmem:v16+s2+$0x0], $0xffff  }
0x1f: {  	s28 =	simm.s32 $0x5781;
	v15 =	vld.idx.msk [tilespmem:v5+s2+$0x0], $0xffff  }
0x20: {  	v11 =	vadd.s32 s28, v0;
	v13 =	vld.idx.msk [tilespmem:v6+s2+$0x0], $0xffff  }
0x21: {  	s29 =	simm.s32 $0x1;
	v7 =	vld.idx.msk [tilespmem:v7+s8+$0x0], $0xffff  }
0x22: {  	v5 =	vadd.s32 s29, v0;
	v2 =	vld.idx.msk [tilespmem:v2+s8+$0x0], $0xffff  }
0x23: {  	s30 =	simm.s32 $0x5780;
	v8 =	vld.idx.msk [tilespmem:v8+s8+$0x0], $0xffff  }
0x24: {  	v6 =	vadd.s32 s30, v0;
	v21 =	vld.idx.msk [tilespmem:v3+s8+$0x0], $0xffff  }
0x25: {  	v11 =	vld.idx.msk [tilespmem:v11+s2+$0x0], $0xffff  }
0x26: {  	v10 =	vld.idx.msk [tilespmem:v10+s8+$0x0], $0xffff  }
0x27: {  	v14 =	vimm.f32 $0.0e+00;
	v16 =	vimm.f32 $0.0e+00;
	v22 =	vld.idx.msk [tilespmem:v5+s2+$0x0], $0xffff  }
0x28: {  	v17 =	vshll.u32 v7, $0x10;
	v26 =	vshll.u32 v2, $0x10;
	v2 =	vand.u32 $0xFFFF0000, v2  }
0x29: {  	v25 =	vld.idx.msk [tilespmem:v6+s2+$0x0], $0xffff;
	v3 =	vand.u32 $0xFFFF0000, v7;
	v7 =	vand.u32 $0xFFFF0000, v8;
	v29 =	vand.u32 $0xFFFF0000, v21  }
0x2a: {  	v24 =	vld.idx.msk [tilespmem:v12+s8+$0x0], $0xffff;
	v27 =	vshll.u32 v21, $0x10;
	v21 =	vimm.f32 $0.0e+00;
	v6 =	vadd.f32 v3, v14  }
0x2b: {  	v19 =	vld.idx.msk [tilespmem:v19+s8+$0x0], $0xffff;
	v3 =	vand.u32 $0xFFFF0000, v10;
	v20 =	vadd.f32 v2, v14;
	v18 =	vadd.f32 v17, v14  }
0x2c: {  	v23 =	vld.idx.msk [tilespmem:v13+s8+$0x0], $0xffff;
	v2 =	vshll.u32 v10, $0x10;
	v26 =	vadd.f32 v26, v14;
	v13 =	vadd.f32 v7, v14  }
0x2d: {  	v10 =	vimm.f32 $0.0e+00;
	v7 =	vimm.f32 $0.0e+00;
	v5 =	vadd.f32 v3, v14;
	v3 =	vld.idx.msk [tilespmem:v11+s8+$0x0], $0xffff  }
0x2e: {  	v17 =	vadd.f32 v2, v14;
	v2 =	vshll.u32 v8, $0x10;
	v11 =	vld.idx.msk [tilespmem:v4+s8+$0x0], $0xffff;
	v4 =	vimm.f32 $0.0e+00  }
0x2f: {  	s14 =	simm.s32 $0x2;
	v8 =	vimm.f32 $0.0e+00;
	v12 =	vadd.f32 v2, v14;
	v2 =	vimm.f32 $0.0e+00;
	v22 =	vld.idx.msk [tilespmem:v22+s8+$0x0], $0xffff  }
.LBB2_2:
0x30: {  	s15 =	sadd.s32 $0xC80, s14  }
0x31: {  	v30 =	vadd.s32 s14, v0;
	s17 =	sadd.s32 $0xC81, s14;
	s18 =	sadd.s32 $0x4B01, s14;
	v31 =	vand.u32 $0xFFFF0000, v23;
	v25 =	vld.idx.msk [tilespmem:v25+s8+$0x0], $0xffff;
	v20 =	vadd.f32 v29, v20;
	s16 =	smov.u32 s14  }
0x32: {  	s19 =	sadd.s32 $0x5781, s14;
	v33 =	vand.u32 $0xFFFF0000, v24;
	v29 =	vadd.s32 s15, v0;
	s15 =	sadd.s32 $0x1900, s14;
	v32 =	vadd.s32 s17, v0;
	s17 =	sadd.s32 $0x2581, s14;
	v28 =	vld.idx.msk [tilespmem:v28+s8+$0x0], $0xffff  }
0x33: {  	s20 =	sadd.s32 $0x1, s14;
	v36 =	vadd.s32 s19, v0;
	v34 =	vadd.s32 s15, v0;
	s15 =	sadd.s32 $0x2580, s14;
	v35 =	vadd.s32 s17, v0;
	s17 =	sadd.s32 $0x3E81, s14;
	v9 =	vld.idx.msk [tilespmem:v9+s8+$0x0], $0xffff  }
0x34: {  	s21 =	sadd.s32 $0x3201, s14;
	s19 =	sadd.s32 $0x3200, s14;
	v39 =	vshll.u32 v11, $0x10;
	v37 =	vadd.s32 s15, v0;
	s15 =	sadd.s32 $0x1901, s14;
	v38 =	vadd.s32 s17, v0;
	v15 =	vld.idx.msk [tilespmem:v15+s8+$0x0], $0xffff  }
0x35: {  	p0 =	slt.u32 s14, $0xC6;
	v41 =	vadd.s32 s21, v0;
	v42 =	vadd.s32 s18, v0;
	v40 =	vadd.s32 s19, v0;
	s17 =	sadd.s32 $0x3E80, s16;
	s14 =	sadd.s32 $0x2, s14;
	v43 =	vld.idx.msk [tilespmem:v1+s8+$0x0], $0xffff  }
0x36: {  	v23 =	vshll.u32 v23, $0x10;
	v14 =	vadd.f32 v31, v14;
	v44 =	vadd.s32 s17, v0;
	v30 =	vld.idx.msk [tilespmem:v30+s2+$0x0], $0xffff  }
0x37: {  	v21 =	vadd.f32 v33, v21;
	v26 =	vadd.f32 v27, v26;
	s17 =	sadd.s32 $0x5780, s16;
	v1 =	vshll.u32 v24, $0x10;
	v29 =	vld.idx.msk [tilespmem:v29+s2+$0x0], $0xffff  }
0x38: {  	v31 =	vand.u32 $0xFFFF0000, v22;
	v24 =	vadd.s32 s17, v0;
	v16 =	vadd.f32 v1, v16;
	v27 =	vld.idx.msk [tilespmem:v32+s2+$0x0], $0xffff  }
0x39: {  	v45 =	vand.u32 $0xFFFF0000, v3;
	v33 =	vand.u32 $0xFFFF0000, v28;
	v32 =	vld.idx.msk [tilespmem:v35+s2+$0x0], $0xffff;
	v35 =	vand.u32 $0xFFFF0000, v9  }
0x3a: {  	v28 =	vshll.u32 v28, $0x10;
	v46 =	vshll.u32 v9, $0x10;
	v1 =	vld.idx.msk [tilespmem:v41+s2+$0x0], $0xffff;
	v41 =	vshll.u32 v15, $0x10  }
0x3b: {  	v47 =	vadd.s32 s20, v0;
	v48 =	vshll.u32 v19, $0x10;
	v9 =	vld.idx.msk [tilespmem:v42+s2+$0x0], $0xffff;
	v42 =	vand.u32 $0xFFFF0000, v25  }
0x3c: {  	s16 =	sadd.s32 $0x4B00, s16;
	v19 =	vand.u32 $0xFFFF0000, v19;
	v10 =	vadd.f32 v41, v10;
	v25 =	vshll.u32 v25, $0x10;
	v40 =	vld.idx.msk [tilespmem:v40+s2+$0x0], $0xffff  }
0x3d: {  	v22 =	vshll.u32 v22, $0x10;
	v41 =	vadd.s32 s16, v0;
	v4 =	vadd.f32 v42, v4;
	v38 =	vld.idx.msk [tilespmem:v38+s2+$0x0], $0xffff  }
0x3e: {  	v17 =	vadd.f32 v28, v17;
	v16 =	vadd.f32 v46, v16;
	v42 =	vand.u32 $0xFFFF0000, v15;
	v34 =	vld.idx.msk [tilespmem:v34+s2+$0x0], $0xffff  }
0x3f: {  	v18 =	vadd.f32 v22, v18;
	v22 =	vshll.u32 v43, $0x10;
	v10 =	vadd.f32 v39, v10;
	v30 =	vld.idx.msk [tilespmem:v30+s8+$0x0], $0xffff  }
0x40: {  	v7 =	vadd.f32 v23, v7;
	v14 =	vadd.f32 v19, v14;
	v23 =	vand.u32 $0xFFFF0000, v43;
	v15 =	vld.idx.msk [tilespmem:v37+s2+$0x0], $0xffff  }
0x41: {  	v2 =	vadd.f32 v25, v2;
	v4 =	vadd.f32 v45, v4;
	v19 =	vld.idx.msk [tilespmem:v44+s2+$0x0], $0xffff  }
0x42: {  	v3 =	vshll.u32 v3, $0x10;
	v21 =	vadd.f32 v35, v21;
	v12 =	vadd.f32 v22, v12;
	v37 =	vld.idx.msk [tilespmem:v41+s2+$0x0], $0xffff  }
0x43: {  	v13 =	vadd.f32 v23, v13;
	v2 =	vadd.f32 v3, v2;
	v22 =	vld.idx.msk [tilespmem:v29+s8+$0x0], $0xffff  }
0x44: {  	v7 =	vadd.f32 v48, v7;
	v3 =	vadd.f32 v42, v8;
	v8 =	vand.u32 $0xFFFF0000, v11;
	v25 =	vld.idx.msk [tilespmem:v24+s2+$0x0], $0xffff  }
0x45: {  	v6 =	vadd.f32 v31, v6;
	v5 =	vadd.f32 v33, v5;
	v11 =	vadd.s32 s15, v0;
	v29 =	vld.idx.msk [tilespmem:v36+s2+$0x0], $0xffff  }
0x46: {  	v8 =	vadd.f32 v8, v3;
	v31 =	vshll.u32 v30, $0x10;
	v24 =	vld.idx.msk [tilespmem:v34+s8+$0x0], $0xffff  }
0x47: {  	v33 =	vld.idx.msk [tilespmem:v47+s2+$0x0], $0xffff  }
0x48: {  	v34 =	vld.idx.msk [tilespmem:v40+s8+$0x0], $0xffff  }
0x49: {  	v35 =	vshll.u32 v22, $0x10;
	v3 =	vand.u32 $0xFFFF0000, v22;
	v27 =	vld.idx.msk [tilespmem:v27+s8+$0x0], $0xffff  }
0x4a: {  	v28 =	vld.idx.msk [tilespmem:v11+s2+$0x0], $0xffff  }
0x4b: {  	v11 =	vand.u32 $0xFFFF0000, v30;
	v23 =	vld.idx.msk [tilespmem:v19+s8+$0x0], $0xffff  }
.Ltmp0:
0x4c: {  	v6 =	vadd.f32 v11, v6;
	v11 =	vshll.u32 v24, $0x10;
	v19 =	vand.u32 $0xFFFF0000, v24;
	v24 =	vld.idx.msk [tilespmem:v37+s8+$0x0], $0xffff;
	(pc) =	sbr.rel @p0 .LBB2_2-.Ltmp0, $4  }
0x4d: {  	v20 =	vadd.f32 v3, v20;
	v5 =	vadd.f32 v19, v5;
	v3 =	vld.idx.msk [tilespmem:v29+s8+$0x0], $0xffff  }
0x4e: {  	v18 =	vadd.f32 v31, v18;
	v17 =	vadd.f32 v11, v17;
	v19 =	vshll.u32 v34, $0x10;
	v11 =	vld.idx.msk [tilespmem:v32+s8+$0x0], $0xffff  }
0x4f: {  	v30 =	vand.u32 $0xFFFF0000, v34;
	v12 =	vadd.f32 v19, v12;
	v29 =	vand.u32 $0xFFFF0000, v27;
	v22 =	vld.idx.msk [tilespmem:v33+s8+$0x0], $0xffff  }
0x50: {  	v26 =	vadd.f32 v35, v26;
	v13 =	vadd.f32 v30, v13;
	v27 =	vshll.u32 v27, $0x10;
	v19 =	vld.idx.msk [tilespmem:v38+s8+$0x0], $0xffff  }
0x51: {  	_ =	sdelay $0x1  }
0x52: {  	v30 =	vand.u32 $0xFFFF0000, v23;
	v20 =	vadd.f32 v29, v20  }
0x53: {  	v41 =	vand.u32 $0xFFFF0000, v24;
	v42 =	vshll.u32 v24, $0x10;
	v14 =	vadd.f32 v30, v14  }
0x54: {  	v28 =	vld.idx.msk [tilespmem:v28+s8+$0x0], $0xffff;
	v43 =	vshll.u32 v23, $0x10;
	v21 =	vadd.f32 v41, v21;
	v26 =	vadd.f32 v27, v26  }
0x55: {  	v15 =	vld.idx.msk [tilespmem:v15+s8+$0x0], $0xffff;
	v16 =	vadd.f32 v42, v16;
	v7 =	vadd.f32 v43, v7  }
0x56: {  	v1 =	vld.idx.msk [tilespmem:v1+s8+$0x0], $0xffff;
	v63 =	vshll.u32 v3, $0x10;
	v31 =	vshll.u32 v11, $0x10;
	v53 =	vmul.f32 $4.999999890e-03, v20  }
0x57: {  	v55 =	vand.u32 $0xFFFF0000, v11;
	v44 =	vand.u32 $0xFFFF0000, v22;
	v46 =	vshll.u32 v22, $0x10  }
0x58: {  	v52 =	vmul.f32 $4.999999890e-03, v26;
	v18 =	vadd.f32 v46, v18;
	v6 =	vadd.f32 v44, v6  }
0x59: {  	v51 =	vshll.u32 v19, $0x10;
	v59 =	vand.u32 $0xFFFF0000, v19;
	v45 =	vand.u32 $0xFFFF0000, v28  }
0x5a: {  	v9 =	vld.idx.msk [tilespmem:v9+s8+$0x0], $0xffff;
	v48 =	vshll.u32 v15, $0x10;
	v49 =	vshll.u32 v28, $0x10;
	v15 =	vand.u32 $0xFFFF0000, v15  }
0x5b: {  	v25 =	vld.idx.msk [tilespmem:v25+s8+$0x0], $0xffff;
	[tilespmem:$0x1EB90] =	vst v53;
	v54 =	vshll.u32 v1, $0x10;
	v7 =	vadd.f32 v51, v7;
	v18 =	vmul.f32 $4.999999890e-03, v18  }
0x5c: {  	[tilespmem:$0x1EB10] =	vst v52;
	v1 =	vand.u32 $0xFFFF0000, v1;
	v6 =	vmul.f32 $4.999999890e-03, v6;
	v17 =	vadd.f32 v49, v17  }
0x5d: {  	v10 =	vadd.f32 v48, v10;
	v5 =	vadd.f32 v45, v5;
	v61 =	vmul.f32 $4.999999890e-03, v7;
	[tilespmem:$0x1EB00] =	vst v18  }
0x5e: {  	v8 =	vadd.f32 v15, v8;
	v56 =	vadd.f32 v54, v12;
	[tilespmem:$0x1EB80] =	vst v6;
	v17 =	vmul.f32 $4.999999890e-03, v17  }
0x5f: {  	v47 =	vand.u32 $0xFFFF0000, v9;
	v1 =	vadd.f32 v1, v13;
	v5 =	vmul.f32 $4.999999890e-03, v5;
	[tilespmem:$0x1EB50] =	vst v61  }
0x60: {  	v10 =	vadd.f32 v31, v10;
	v8 =	vadd.f32 v55, v8;
	v6 =	vmul.f32 $4.999999890e-03, v56;
	[tilespmem:$0x1EB20] =	vst v17  }
0x61: {  	v9 =	vshll.u32 v9, $0x10;
	v57 =	vshll.u32 v25, $0x10;
	v1 =	vmul.f32 $4.999999890e-03, v1;
	[tilespmem:$0x1EBA0] =	vst v5  }
0x62: {  	v10 =	vmul.f32 $4.999999890e-03, v10;
	v58 =	vmul.f32 $4.999999890e-03, v8;
	v8 =	vadd.f32 v59, v14;
	[tilespmem:$0x1EB40] =	vst v6  }
0x63: {  	v50 =	vand.u32 $0xFFFF0000, v25;
	v60 =	vadd.f32 v9, v16;
	v2 =	vadd.f32 v57, v2;
	[tilespmem:$0x1EBC0] =	vst v1  }
0x64: {  	v4 =	vadd.f32 v50, v4;
	v62 =	vadd.f32 v47, v21;
	[tilespmem:$0x1EB30] =	vst v10;
	v1 =	vmul.f32 $4.999999890e-03, v8  }
0x65: {  	v3 =	vand.u32 $0xFFFF0000, v3;
	v2 =	vadd.f32 v63, v2;
	v5 =	vmul.f32 $4.999999890e-03, v60;
	[tilespmem:$0x1EBB0] =	vst v58  }
0x66: {  	v3 =	vadd.f32 v3, v4;
	[tilespmem:$0x1EBD0] =	vst v1;
	v1 =	vmul.f32 $4.999999890e-03, v62  }
0x67: {  	v2 =	vmul.f32 $4.999999890e-03, v2;
	[tilespmem:$0x1EB60] =	vst v5  }
0x68: {  	[tilespmem:$0x1EBE0] =	vst v1;
	v1 =	vmul.f32 $4.999999890e-03, v3  }
0x69: {  	[tilespmem:$0x1EB70] =	vst v2  }
0x6a: {  	[tilespmem:$0x1EBF0] =	vst v1  }
0x6b: {  	[hbm4b:s5+s2] =	stream.linear.scatter [tilespmem:s11], [sflag:$0x1], $0x80, $0x38;
	[tilespmem:$0x1EC00] =	vst v63  }
0x6c: {  	s13 =	sadd.s32 $0x1, s13  }
0x6d: {  	[hbm4b:s6+s2] =	stream.linear.scatter [tilespmem:s12], [sflag:$0x2], $0x80, $0x38;
	[tilespmem:$0x1EC00] =	vst v63  }
0x6e: {  	p0 =	sne.s32 s13, s7;
	_ =	swait.ge [sflag:s10], $0x80  }
.Ltmp1:
0x6f: {  	[sflag:s10] =	ssyncset.done $0x0;
	(pc) =	sbr.rel @p0 .LBB2_1-.Ltmp1, $4  }
0x70: {  	[sflag:s10] =	ssyncadd.s32 $0xFFFFFF80  }
0x71: {  	_ =	swait.ge [sflag:s9], $0x80  }
0x72: {  	[sflag:s9] =	ssyncset.done $0x0  }
0x73: {  	[sflag:s9] =	ssyncadd.s32 $0xFFFFFF80  }
0x74: {  	_ =	sfence.sel $0x180000  }
0x75: {  	[bflag:$0x0] =	sbarrier.arrive $0xFFFF  }
0x76: {  	p0 =	sne.s32 s0, $0x0;
	_ =	strace $0x90000047  }
0x77: {  	s0 =	sadd.s32 @!p0 $0x100000, s1;
	[bflag:$0x2] =	sbarrier.arrive $0xFFFF  }
0x78: {  	[sflag:s0] =	ssyncadd.tile.s32 @!p0 $0x1;
	_ =	shalt  }
.Lfunc_end2:
_tile_overlayer_lowered:
.L_overlay_start_2:
0x79: {  	(tag) =	ssettag $0x2  }
0x7a: {  	s0 =	rddreg [dreg:$0x0];
	s2 =	stileid.u32  }
0x7b: {  	s1 =	rddreg [dreg:$0x1];
	p0 =	sne.s32 s2, $0x0  }
0x7c: {  	s3 =	rddreg [dreg:$0x2];
	[bflag:$0x3] =	sbarrier.arrive $0xFFFF;
	s2 =	simm.s32 @!p0 $0x1C03  }
0x7d: {  	[timem:s3], [sflag:s2] =	dma.local @!p0 [hbm:s0], s1  }
0x7e: {  	s0 =	simm.s32 @!p0 $0x3  }
0x7f: {  	_ =	swait.ge @!p0 [sflag:s0], s1  }
0x80: {  	s1 =	ssub.s32 @!p0 $0x0, s1;
	[sflag:s0] =	ssyncset.done @!p0 $0x0  }
0x81: {  	[sflag:s0] =	ssyncadd.s32 @!p0 s1  }
0x82: {  	[bflag:$0x3] =	sbarrier.arrive $0xFFFF  }
0x83: {  	_ =	shalt  }

</sc_bundles>
